<compile_context>
chip_gen: v7x
topology: tpu7x:2x2x1
jax: 0.10.2.dev20260603
libtpu: 0.0.44.dev20260713+nightly
codegen_flags: <defaults>
</compile_context>

<pallas_src>
import functools

import jax
import jax.numpy as jnp
from jax import lax
from jax.experimental import pallas as pl
from jax.experimental.pallas import tpu as pltpu
from jax.experimental.pallas import tpu_sc as plsc

BATCH = 16384
HIST = 50
USER_DIM = 128
CAT_DIM = 64
NUM_CATEGORIES = 1000
DENSE_UNITS = 96

NC = 2
NS = 16
NW = NC * NS
BPW = BATCH // NW
LANES = 16
UCH = BPW // 4
NG = BPW // LANES


def _sc_fused(user_ids, user_table, cat_idx_flat, cat_table_flat):
    mesh = plsc.VectorSubcoreMesh(core_axis_name="c", subcore_axis_name="s")
    tab_words = (NUM_CATEGORIES + 1) * CAT_DIM

    @functools.partial(
        pl.kernel,
        out_type=(
            jax.ShapeDtypeStruct((BATCH, USER_DIM), jnp.float32),
            jax.ShapeDtypeStruct((BATCH, CAT_DIM), jnp.float32),
        ),
        mesh=mesh,
        scratch_types=[
            pltpu.VMEM((BPW,), jnp.int32),
            pltpu.VMEM((HIST, BPW), jnp.int32),
            pltpu.VMEM((tab_words,), jnp.float32),
            pltpu.VMEM((2, UCH, USER_DIM), jnp.float32),
            pltpu.VMEM((2, LANES, CAT_DIM), jnp.float32),
            pltpu.SemaphoreType.DMA,
            pltpu.SemaphoreType.DMA,
            pltpu.SemaphoreType.DMA,
        ],
        compiler_params=pltpu.CompilerParams(needs_layout_passes=False),
    )
    def k(uids_hbm, ut_hbm, cidx_hbm, ct_hbm, uout_hbm, cout_hbm,
          uid_v, cidx_v, tab_v, ubuf, obuf, gsem, wsem, csem):
        wid = lax.axis_index("s") * NC + lax.axis_index("c")
        base = wid * BPW
        pltpu.sync_copy(uids_hbm.at[pl.ds(base, BPW)], uid_v)

        def ug_desc(ch):
            return pltpu.make_async_copy(
                ut_hbm.at[uid_v.at[pl.ds(ch * UCH, UCH)]], ubuf.at[ch % 2], gsem)

        def uw_desc(ch):
            return pltpu.make_async_copy(
                ubuf.at[ch % 2], uout_hbm.at[pl.ds(base + ch * UCH, UCH)], wsem)

        ug_desc(0).start()
        pltpu.sync_copy(cidx_hbm.at[:, pl.ds(base, BPW)], cidx_v)
        pltpu.sync_copy(ct_hbm, tab_v)

        lane = lax.iota(jnp.int32, LANES)
        diag = tuple((lane + f0) & (LANES - 1) for f0 in range(LANES))
        inv = jnp.float32(1.0 / HIST)

        def service(ch):
            ug_desc(ch - 1).wait()
            uw_desc(ch - 1).start()
            if ch >= 2:
                uw_desc(ch - 2).wait()
            ug_desc(ch).start()

        def g_body(g, _):
            for ch in (1, 2, 3):
                pl.when(g == 8 * ch)(lambda ch=ch: service(ch))
            gbase = g * LANES
            pl.when(g >= 2)(
                lambda: pltpu.make_async_copy(
                    obuf.at[g % 2],
                    cout_hbm.at[pl.ds(base + gbase - 2 * LANES, LANES)],
                    csem,
                ).wait()
            )
            def dc_body(dc, _):
                foff = dc * LANES

                def h_body(h, acc):
                    c = cidx_v[h, pl.ds(gbase, LANES)]
                    b0 = c * CAT_DIM + foff
                    return tuple(
                        acc[f0] + plsc.load_gather(tab_v, [b0 + diag[f0]])
                        for f0 in range(LANES)
                    )

                acc0 = tuple(jnp.zeros((LANES,), jnp.float32) for _ in range(LANES))
                acc = lax.fori_loop(0, HIST, h_body, acc0)
                for f0 in range(LANES):
                    plsc.store_scatter(
                        obuf.at[g % 2], [lane, foff + diag[f0]], acc[f0] * inv)
                return 0

            lax.fori_loop(0, CAT_DIM // LANES, dc_body, 0)
            pltpu.async_copy(
                obuf.at[g % 2], cout_hbm.at[pl.ds(base + gbase, LANES)], csem)
            return 0

        lax.fori_loop(0, NG, g_body, 0)

        for g in (NG - 2, NG - 1):
            pltpu.make_async_copy(
                obuf.at[g % 2],
                cout_hbm.at[pl.ds(base + g * LANES, LANES)], csem).wait()
        ug_desc(3).wait()
        uw_desc(3).start()
        uw_desc(2).wait()
        uw_desc(3).wait()

    return k(user_ids, user_table, cat_idx_flat, cat_table_flat)


def _mlp(user_emb, cat_mean, W1u, W1c, b1, W2, b2):
    BM = 2048
    grid = (BATCH // BM,)

    def body(u_ref, c_ref, w1u_ref, w1c_ref, b1_ref, w2_ref, b2_ref, o_ref):
        xu = lax.dot_general(
            w1u_ref[...], u_ref[...], (((0,), (1,)), ((), ())),
            preferred_element_type=jnp.float32,
        )
        xc = lax.dot_general(
            w1c_ref[...], c_ref[...], (((0,), (1,)), ((), ())),
            preferred_element_type=jnp.float32,
        )
        x = jax.nn.relu(xu + xc + b1_ref[...])
        z = lax.dot_general(
            w2_ref[...], x, (((0,), (0,)), ((), ())),
            preferred_element_type=jnp.float32,
        )
        o_ref[...] = jax.nn.sigmoid(z + b2_ref[...])

    return pl.pallas_call(
        body,
        grid=grid,
        in_specs=[
            pl.BlockSpec((BM, USER_DIM), lambda i: (i, 0)),
            pl.BlockSpec((BM, CAT_DIM), lambda i: (i, 0)),
            pl.BlockSpec((USER_DIM, DENSE_UNITS), lambda i: (0, 0)),
            pl.BlockSpec((CAT_DIM, DENSE_UNITS), lambda i: (0, 0)),
            pl.BlockSpec((DENSE_UNITS, 1), lambda i: (0, 0)),
            pl.BlockSpec((DENSE_UNITS, NUM_CATEGORIES), lambda i: (0, 0)),
            pl.BlockSpec((NUM_CATEGORIES, 1), lambda i: (0, 0)),
        ],
        out_specs=pl.BlockSpec((NUM_CATEGORIES, BM), lambda i: (0, i)),
        out_shape=jax.ShapeDtypeStruct((NUM_CATEGORIES, BATCH), jnp.float32),
    )(user_emb, cat_mean, W1u, W1c, b1, W2, b2)


def kernel(user_ids, category_ids, user_table, category_table, W1, b1, W2, b2):
    user_emb, cat_mean = _sc_fused(
        user_ids,
        user_table,
        category_ids.T,
        category_table.reshape(-1),
    )
    out_t = _mlp(
        user_emb,
        cat_mean,
        W1[:USER_DIM],
        W1[USER_DIM:],
        b1.reshape(-1, 1),
        W2,
        b2.reshape(-1, 1),
    )
    return out_t.T

# --- scband reference (transcript-rebuilt; emitter-appended) ---
"""Pipeline reference for scband-book-recommendation-model-16269336117528 (READ-ONLY COPY).

The authoritative reference and input builder live on the scoring server;
editing this copy changes nothing except your own understanding.
"""

import jax, jax.numpy as jnp
import numpy as np

NUM_USERS = 1000000
NUM_BOOKS = 100000
NUM_CATEGORIES = 1000
BATCH = 16384
HIST = 50
USER_DIM = 128
CAT_DIM = 64
DENSE_UNITS = 96


def setup_inputs(seed: int = 0) -> dict:
    key = jax.random.key(seed)
    k1, k2, k3, k4, k5, k6 = jax.random.split(key, 6)
    user_ids = jax.random.randint(k1, (BATCH,), 0, NUM_USERS + 1, dtype=jnp.int32)
    category_ids = jax.random.randint(k2, (BATCH, HIST), 0, NUM_CATEGORIES + 1, dtype=jnp.int32)
    user_table = jax.random.normal(k3, (NUM_USERS + 1, USER_DIM), dtype=jnp.float32) * 0.05
    category_table = jax.random.normal(k4, (NUM_CATEGORIES + 1, CAT_DIM), dtype=jnp.float32) * 0.05
    W1 = jax.random.normal(k5, (USER_DIM + CAT_DIM, DENSE_UNITS), dtype=jnp.float32) * 0.05
    b1 = jnp.zeros((DENSE_UNITS,), dtype=jnp.float32)
    W2 = jax.random.normal(k6, (DENSE_UNITS, NUM_CATEGORIES), dtype=jnp.float32) * 0.05
    b2 = jnp.zeros((NUM_CATEGORIES,), dtype=jnp.float32)
    return {
        'user_ids': user_ids,
        'category_ids': category_ids,
        'user_table': user_table,
        'category_table': category_table,
        'W1': W1,
        'b1': b1,
        'W2': W2,
        'b2': b2,
    }


def reference(user_ids, category_ids, user_table, category_table, W1, b1, W2, b2):
    user_embedded = jnp.take(user_table, user_ids, axis=0)  # [B, 128]
    category_processed = jnp.take(category_table, category_ids, axis=0)  # [B, H, 64]
    category_processed = jnp.mean(category_processed, axis=1)  # [B, 64]
    combined = jnp.concatenate([user_embedded, category_processed], axis=-1)  # [B, 192]
    x = jax.nn.relu(combined @ W1 + b1)  # [B, 96]
    out = jax.nn.sigmoid(x @ W2 + b2)  # [B, 1000]
    return out

if __name__ == "__main__":
    import jax
    _d = setup_inputs()
    print(jax.jit(kernel)(*tuple(_d.values())))

</pallas_src>

<mosaic_0001>
#map = affine_map<(d0, d1) -> (0)>
#map1 = affine_map<(d0, d1) -> (0, 0)>
module attributes {stable_mosaic.version = 14 : i64} {
  func.func @k(%arg0: i32, %arg1: i32, %arg2: memref<16384xi32, #tpu.memory_space<hbm>>, %arg3: memref<1000001x128xf32, #tpu.memory_space<hbm>>, %arg4: memref<50x16384xi32, #tpu.memory_space<hbm>>, %arg5: memref<64064xf32, #tpu.memory_space<hbm>>, %arg6: memref<16384x128xf32, #tpu.memory_space<hbm>>, %arg7: memref<16384x64xf32, #tpu.memory_space<hbm>>, %arg8: memref<512xi32, #tpu.memory_space<vmem>>, %arg9: memref<50x512xi32, #tpu.memory_space<vmem>>, %arg10: memref<64064xf32, #tpu.memory_space<vmem>>, %arg11: memref<2x128x128xf32, #tpu.memory_space<vmem>>, %arg12: memref<2x16x64xf32, #tpu.memory_space<vmem>>, %arg13: memref<!tpu.dma_semaphore, #tpu.memory_space<semaphore_mem>>, %arg14: memref<!tpu.dma_semaphore, #tpu.memory_space<semaphore_mem>>, %arg15: memref<!tpu.dma_semaphore, #tpu.memory_space<semaphore_mem>>) attributes {dimension_semantics = [#tpu.dimension_semantics<core_parallel>, #tpu.dimension_semantics<subcore_parallel>], iteration_bounds = array<i64: 2, 16>, scalar_prefetch = 0 : i64, scratch_operands = 8 : i64, tpu.core_type = #tpu.core_type<sc_vector_subcore>, window_params = [{transform_indices = #map}, {transform_indices = #map1}, {transform_indices = #map1}, {transform_indices = #map}, {transform_indices = #map1}, {transform_indices = #map1}]} {
    %mul3A = arith.constant 2 : i32
    %mul3A_0 = arith.muli %arg1, %mul3A : i32
    %add3A = arith.addi %mul3A_0, %arg0 : i32
    %mul3A_1 = arith.constant 512 : i32
    %mul3A_2 = arith.muli %add3A, %mul3A_1 : i32
    "tpu.region"() ({
      %run_scoped3A = tpu.sem_alloc : memref<!tpu.dma_semaphore, #tpu.memory_space<semaphore_mem>>
      %dma_start3A_198 = tpu.memref_slice %arg2[%mul3A_2] : memref<16384xi32, #tpu.memory_space<hbm>> -> memref<512xi32, #tpu.memory_space<hbm>>
      %dma_start3A_199 = tpu.memref_slice %arg2[%mul3A_2] : memref<16384xi32, #tpu.memory_space<hbm>> -> memref<512xi32, #tpu.memory_space<hbm>>
      tpu.enqueue_dma source(%dma_start3A_199 : memref<512xi32, #tpu.memory_space<hbm>>) target(%arg8 : memref<512xi32, #tpu.memory_space<vmem>>) target_semaphore(%run_scoped3A : memref<!tpu.dma_semaphore, #tpu.memory_space<semaphore_mem>>)
      %dma_wait3A_200 = tpu.memref_slice %arg2[%mul3A_2] : memref<16384xi32, #tpu.memory_space<hbm>> -> memref<512xi32, #tpu.memory_space<hbm>>
      %dma_wait3A_201 = tpu.memref_slice %arg2[%mul3A_2] : memref<16384xi32, #tpu.memory_space<hbm>> -> memref<512xi32, #tpu.memory_space<hbm>>
      tpu.wait_dma2 semaphore(%run_scoped3A : memref<!tpu.dma_semaphore, #tpu.memory_space<semaphore_mem>>) src(%dma_wait3A_201 : memref<512xi32, #tpu.memory_space<hbm>>) dst(%arg8 : memref<512xi32, #tpu.memory_space<vmem>>)
      tpu.yield
    }) : () -> ()
    %dma_start3A = arith.constant 0 : i32
    %dma_start3A_3 = arith.constant 0 : i32
    %dma_start3A_4 = arith.constant 0 : i32
    %dma_start3A_5 = tpu.memref_slice %arg11[%dma_start3A, %dma_start3A_3, %dma_start3A_4] : memref<2x128x128xf32, #tpu.memory_space<vmem>> -> memref<1x128x128xf32, #tpu.memory_space<vmem>>
    %dma_start3A_6 = tpu.memref_squeeze %dma_start3A_5 : memref<1x128x128xf32, #tpu.memory_space<vmem>> -> memref<128x128xf32, #tpu.memory_space<vmem>>
    %dma_start3A_7 = arith.constant 0 : i32
    %dma_start3A_8 = tpu.memref_slice %arg8[%dma_start3A_7] : memref<512xi32, #tpu.memory_space<vmem>> -> memref<128xi32, #tpu.memory_space<vmem>>
    %dma_start3A_9 = arith.constant 0 : i32
    %dma_start3A_10 = arith.constant 0 : i32
    %dma_start3A_11 = tpu.memref_slice %arg3[%dma_start3A_9, %dma_start3A_10] : memref<1000001x128xf32, #tpu.memory_space<hbm>> -> memref<1000001x128xf32, #tpu.memory_space<hbm>>
    tpu.enqueue_indirect_dma source(%dma_start3A_11 : memref<1000001x128xf32, #tpu.memory_space<hbm>>) target(%dma_start3A_6 : memref<128x128xf32, #tpu.memory_space<vmem>>) offsets(%dma_start3A_8 : memref<128xi32, #tpu.memory_space<vmem>>) semaphore(%arg13 : memref<!tpu.dma_semaphore, #tpu.memory_space<semaphore_mem>>)
    "tpu.region"() ({
      %run_scoped3A = tpu.sem_alloc : memref<!tpu.dma_semaphore, #tpu.memory_space<semaphore_mem>>
      %dma_start3A_198 = arith.constant 0 : i32
      %dma_start3A_199 = tpu.memref_slice %arg4[%dma_start3A_198, %mul3A_2] : memref<50x16384xi32, #tpu.memory_space<hbm>> -> memref<50x512xi32, #tpu.memory_space<hbm>>
      %dma_start3A_200 = arith.constant 0 : i32
      %dma_start3A_201 = tpu.memref_slice %arg4[%dma_start3A_200, %mul3A_2] : memref<50x16384xi32, #tpu.memory_space<hbm>> -> memref<50x512xi32, #tpu.memory_space<hbm>>
      tpu.enqueue_dma source(%dma_start3A_201 : memref<50x512xi32, #tpu.memory_space<hbm>>) target(%arg9 : memref<50x512xi32, #tpu.memory_space<vmem>>) target_semaphore(%run_scoped3A : memref<!tpu.dma_semaphore, #tpu.memory_space<semaphore_mem>>)
      %dma_wait3A_202 = arith.constant 0 : i32
      %dma_wait3A_203 = tpu.memref_slice %arg4[%dma_wait3A_202, %mul3A_2] : memref<50x16384xi32, #tpu.memory_space<hbm>> -> memref<50x512xi32, #tpu.memory_space<hbm>>
      %dma_wait3A_204 = arith.constant 0 : i32
      %dma_wait3A_205 = tpu.memref_slice %arg4[%dma_wait3A_204, %mul3A_2] : memref<50x16384xi32, #tpu.memory_space<hbm>> -> memref<50x512xi32, #tpu.memory_space<hbm>>
      tpu.wait_dma2 semaphore(%run_scoped3A : memref<!tpu.dma_semaphore, #tpu.memory_space<semaphore_mem>>) src(%dma_wait3A_205 : memref<50x512xi32, #tpu.memory_space<hbm>>) dst(%arg9 : memref<50x512xi32, #tpu.memory_space<vmem>>)
      tpu.yield
    }) : () -> ()
    "tpu.region"() ({
      %run_scoped3A = tpu.sem_alloc : memref<!tpu.dma_semaphore, #tpu.memory_space<semaphore_mem>>
      tpu.enqueue_dma source(%arg5 : memref<64064xf32, #tpu.memory_space<hbm>>) target(%arg10 : memref<64064xf32, #tpu.memory_space<vmem>>) target_semaphore(%run_scoped3A : memref<!tpu.dma_semaphore, #tpu.memory_space<semaphore_mem>>)
      tpu.wait_dma2 semaphore(%run_scoped3A : memref<!tpu.dma_semaphore, #tpu.memory_space<semaphore_mem>>) src(%arg5 : memref<64064xf32, #tpu.memory_space<hbm>>) dst(%arg10 : memref<64064xf32, #tpu.memory_space<vmem>>)
      tpu.yield
    }) : () -> ()
    %iota3A = tpu.iota {dimensions = array<i32: 0>} : vector<16xi32>
    %add3A_12 = arith.constant 0 : i32
    %add3A_13 = vector.broadcast %add3A_12 : i32 to vector<16xi32>
    %add3A_14 = arith.addi %iota3A, %add3A_13 : vector<16xi32>
    %and3A = arith.constant 15 : i32
    %and3A_15 = vector.broadcast %and3A : i32 to vector<16xi32>
    %and3A_16 = arith.andi %add3A_14, %and3A_15 : vector<16xi32>
    %add3A_17 = arith.constant 1 : i32
    %add3A_18 = vector.broadcast %add3A_17 : i32 to vector<16xi32>
    %add3A_19 = arith.addi %iota3A, %add3A_18 : vector<16xi32>
    %and3A_20 = arith.constant 15 : i32
    %and3A_21 = vector.broadcast %and3A_20 : i32 to vector<16xi32>
    %and3A_22 = arith.andi %add3A_19, %and3A_21 : vector<16xi32>
    %add3A_23 = arith.constant 2 : i32
    %add3A_24 = vector.broadcast %add3A_23 : i32 to vector<16xi32>
    %add3A_25 = arith.addi %iota3A, %add3A_24 : vector<16xi32>
    %and3A_26 = arith.constant 15 : i32
    %and3A_27 = vector.broadcast %and3A_26 : i32 to vector<16xi32>
    %and3A_28 = arith.andi %add3A_25, %and3A_27 : vector<16xi32>
    %add3A_29 = arith.constant 3 : i32
    %add3A_30 = vector.broadcast %add3A_29 : i32 to vector<16xi32>
    %add3A_31 = arith.addi %iota3A, %add3A_30 : vector<16xi32>
    %and3A_32 = arith.constant 15 : i32
    %and3A_33 = vector.broadcast %and3A_32 : i32 to vector<16xi32>
    %and3A_34 = arith.andi %add3A_31, %and3A_33 : vector<16xi32>
    %add3A_35 = arith.constant 4 : i32
    %add3A_36 = vector.broadcast %add3A_35 : i32 to vector<16xi32>
    %add3A_37 = arith.addi %iota3A, %add3A_36 : vector<16xi32>
    %and3A_38 = arith.constant 15 : i32
    %and3A_39 = vector.broadcast %and3A_38 : i32 to vector<16xi32>
    %and3A_40 = arith.andi %add3A_37, %and3A_39 : vector<16xi32>
    %add3A_41 = arith.constant 5 : i32
    %add3A_42 = vector.broadcast %add3A_41 : i32 to vector<16xi32>
    %add3A_43 = arith.addi %iota3A, %add3A_42 : vector<16xi32>
    %and3A_44 = arith.constant 15 : i32
    %and3A_45 = vector.broadcast %and3A_44 : i32 to vector<16xi32>
    %and3A_46 = arith.andi %add3A_43, %and3A_45 : vector<16xi32>
    %add3A_47 = arith.constant 6 : i32
    %add3A_48 = vector.broadcast %add3A_47 : i32 to vector<16xi32>
    %add3A_49 = arith.addi %iota3A, %add3A_48 : vector<16xi32>
    %and3A_50 = arith.constant 15 : i32
    %and3A_51 = vector.broadcast %and3A_50 : i32 to vector<16xi32>
    %and3A_52 = arith.andi %add3A_49, %and3A_51 : vector<16xi32>
    %add3A_53 = arith.constant 7 : i32
    %add3A_54 = vector.broadcast %add3A_53 : i32 to vector<16xi32>
    %add3A_55 = arith.addi %iota3A, %add3A_54 : vector<16xi32>
    %and3A_56 = arith.constant 15 : i32
    %and3A_57 = vector.broadcast %and3A_56 : i32 to vector<16xi32>
    %and3A_58 = arith.andi %add3A_55, %and3A_57 : vector<16xi32>
    %add3A_59 = arith.constant 8 : i32
    %add3A_60 = vector.broadcast %add3A_59 : i32 to vector<16xi32>
    %add3A_61 = arith.addi %iota3A, %add3A_60 : vector<16xi32>
    %and3A_62 = arith.constant 15 : i32
    %and3A_63 = vector.broadcast %and3A_62 : i32 to vector<16xi32>
    %and3A_64 = arith.andi %add3A_61, %and3A_63 : vector<16xi32>
    %add3A_65 = arith.constant 9 : i32
    %add3A_66 = vector.broadcast %add3A_65 : i32 to vector<16xi32>
    %add3A_67 = arith.addi %iota3A, %add3A_66 : vector<16xi32>
    %and3A_68 = arith.constant 15 : i32
    %and3A_69 = vector.broadcast %and3A_68 : i32 to vector<16xi32>
    %and3A_70 = arith.andi %add3A_67, %and3A_69 : vector<16xi32>
    %add3A_71 = arith.constant 10 : i32
    %add3A_72 = vector.broadcast %add3A_71 : i32 to vector<16xi32>
    %add3A_73 = arith.addi %iota3A, %add3A_72 : vector<16xi32>
    %and3A_74 = arith.constant 15 : i32
    %and3A_75 = vector.broadcast %and3A_74 : i32 to vector<16xi32>
    %and3A_76 = arith.andi %add3A_73, %and3A_75 : vector<16xi32>
    %add3A_77 = arith.constant 11 : i32
    %add3A_78 = vector.broadcast %add3A_77 : i32 to vector<16xi32>
    %add3A_79 = arith.addi %iota3A, %add3A_78 : vector<16xi32>
    %and3A_80 = arith.constant 15 : i32
    %and3A_81 = vector.broadcast %and3A_80 : i32 to vector<16xi32>
    %and3A_82 = arith.andi %add3A_79, %and3A_81 : vector<16xi32>
    %add3A_83 = arith.constant 12 : i32
    %add3A_84 = vector.broadcast %add3A_83 : i32 to vector<16xi32>
    %add3A_85 = arith.addi %iota3A, %add3A_84 : vector<16xi32>
    %and3A_86 = arith.constant 15 : i32
    %and3A_87 = vector.broadcast %and3A_86 : i32 to vector<16xi32>
    %and3A_88 = arith.andi %add3A_85, %and3A_87 : vector<16xi32>
    %add3A_89 = arith.constant 13 : i32
    %add3A_90 = vector.broadcast %add3A_89 : i32 to vector<16xi32>
    %add3A_91 = arith.addi %iota3A, %add3A_90 : vector<16xi32>
    %and3A_92 = arith.constant 15 : i32
    %and3A_93 = vector.broadcast %and3A_92 : i32 to vector<16xi32>
    %and3A_94 = arith.andi %add3A_91, %and3A_93 : vector<16xi32>
    %add3A_95 = arith.constant 14 : i32
    %add3A_96 = vector.broadcast %add3A_95 : i32 to vector<16xi32>
    %add3A_97 = arith.addi %iota3A, %add3A_96 : vector<16xi32>
    %and3A_98 = arith.constant 15 : i32
    %and3A_99 = vector.broadcast %and3A_98 : i32 to vector<16xi32>
    %and3A_100 = arith.andi %add3A_97, %and3A_99 : vector<16xi32>
    %add3A_101 = arith.constant 15 : i32
    %add3A_102 = vector.broadcast %add3A_101 : i32 to vector<16xi32>
    %add3A_103 = arith.addi %iota3A, %add3A_102 : vector<16xi32>
    %and3A_104 = arith.constant 15 : i32
    %and3A_105 = vector.broadcast %and3A_104 : i32 to vector<16xi32>
    %and3A_106 = arith.andi %add3A_103, %and3A_105 : vector<16xi32>
    %scan3A = arith.constant 2.000000e-02 : f32
    %scan3A_107 = arith.constant 0 : i32
    %scan3A_108 = arith.constant 0 : i32
    %scan3A_109 = arith.constant 32 : i32
    %scan3A_110 = arith.addi %scan3A_108, %scan3A_109 : i32
    %scan3A_111 = arith.constant 1 : i32
    %scan3A_112 = scf.for %scan3A_198 = %scan3A_108 to %scan3A_110 step %scan3A_111 iter_args(%scan3A_199 = %scan3A_107) -> (i32)  : i32 {
      %eq3A = arith.constant 8 : i32
      %eq3A_200 = arith.cmpi eq, %scan3A_198, %eq3A : i32
      %convert_element_type3A = arith.extui %eq3A_200 : i1 to i32
      %cond3A = arith.constant 0 : i32
      %cond3A_201 = arith.cmpi ne, %convert_element_type3A, %cond3A : i32
      scf.if %cond3A_201 {
        %dma_wait3A_250 = arith.constant 0 : i32
        %dma_wait3A_251 = arith.constant 0 : i32
        %dma_wait3A_252 = arith.constant 0 : i32
        %dma_wait3A_253 = tpu.memref_slice %arg11[%dma_wait3A_250, %dma_wait3A_251, %dma_wait3A_252] : memref<2x128x128xf32, #tpu.memory_space<vmem>> -> memref<1x128x128xf32, #tpu.memory_space<vmem>>
        %dma_wait3A_254 = tpu.memref_squeeze %dma_wait3A_253 : memref<1x128x128xf32, #tpu.memory_space<vmem>> -> memref<128x128xf32, #tpu.memory_space<vmem>>
        %dma_wait3A_255 = arith.constant 0 : i32
        %dma_wait3A_256 = tpu.memref_slice %arg8[%dma_wait3A_255] : memref<512xi32, #tpu.memory_space<vmem>> -> memref<128xi32, #tpu.memory_space<vmem>>
        %dma_wait3A_257 = arith.constant 0 : i32
        %dma_wait3A_258 = arith.constant 0 : i32
        %dma_wait3A_259 = tpu.memref_slice %arg3[%dma_wait3A_257, %dma_wait3A_258] : memref<1000001x128xf32, #tpu.memory_space<hbm>> -> memref<1000001x128xf32, #tpu.memory_space<hbm>>
        tpu.wait_indirect_dma semaphore(%arg13 : memref<!tpu.dma_semaphore, #tpu.memory_space<semaphore_mem>>) src(%dma_wait3A_259 : memref<1000001x128xf32, #tpu.memory_space<hbm>>) dst(%dma_wait3A_254 : memref<128x128xf32, #tpu.memory_space<vmem>>)
        %add3A_260 = arith.constant 0 : i32
        %add3A_261 = arith.addi %mul3A_2, %add3A_260 : i32
        %dma_start3A_262 = arith.constant 0 : i32
        %dma_start3A_263 = arith.constant 0 : i32
        %dma_start3A_264 = arith.constant 0 : i32
        %dma_start3A_265 = tpu.memref_slice %arg11[%dma_start3A_262, %dma_start3A_263, %dma_start3A_264] : memref<2x128x128xf32, #tpu.memory_space<vmem>> -> memref<1x128x128xf32, #tpu.memory_space<vmem>>
        %dma_start3A_266 = tpu.memref_squeeze %dma_start3A_265 : memref<1x128x128xf32, #tpu.memory_space<vmem>> -> memref<128x128xf32, #tpu.memory_space<vmem>>
        %dma_start3A_267 = arith.constant 0 : i32
        %dma_start3A_268 = tpu.memref_slice %arg6[%add3A_261, %dma_start3A_267] : memref<16384x128xf32, #tpu.memory_space<hbm>> -> memref<128x128xf32, #tpu.memory_space<hbm>>
        %dma_start3A_269 = arith.constant 0 : i32
        %dma_start3A_270 = tpu.memref_slice %arg6[%add3A_261, %dma_start3A_269] : memref<16384x128xf32, #tpu.memory_space<hbm>> -> memref<128x128xf32, #tpu.memory_space<hbm>>
        %dma_start3A_271 = arith.constant 0 : i32
        %dma_start3A_272 = arith.constant 0 : i32
        %dma_start3A_273 = tpu.memref_slice %arg11[%dma_start3A_262, %dma_start3A_271, %dma_start3A_272] : memref<2x128x128xf32, #tpu.memory_space<vmem>> -> memref<1x128x128xf32, #tpu.memory_space<vmem>>
        %dma_start3A_274 = tpu.memref_squeeze %dma_start3A_273 : memref<1x128x128xf32, #tpu.memory_space<vmem>> -> memref<128x128xf32, #tpu.memory_space<vmem>>
        tpu.enqueue_dma source(%dma_start3A_274 : memref<128x128xf32, #tpu.memory_space<vmem>>) target(%dma_start3A_270 : memref<128x128xf32, #tpu.memory_space<hbm>>) target_semaphore(%arg14 : memref<!tpu.dma_semaphore, #tpu.memory_space<semaphore_mem>>)
        %dma_start3A_275 = arith.constant 1 : i32
        %dma_start3A_276 = arith.constant 0 : i32
        %dma_start3A_277 = arith.constant 0 : i32
        %dma_start3A_278 = tpu.memref_slice %arg11[%dma_start3A_275, %dma_start3A_276, %dma_start3A_277] : memref<2x128x128xf32, #tpu.memory_space<vmem>> -> memref<1x128x128xf32, #tpu.memory_space<vmem>>
        %dma_start3A_279 = tpu.memref_squeeze %dma_start3A_278 : memref<1x128x128xf32, #tpu.memory_space<vmem>> -> memref<128x128xf32, #tpu.memory_space<vmem>>
        %dma_start3A_280 = arith.constant 128 : i32
        %dma_start3A_281 = tpu.memref_slice %arg8[%dma_start3A_280] : memref<512xi32, #tpu.memory_space<vmem>> -> memref<128xi32, #tpu.memory_space<vmem>>
        %dma_start3A_282 = arith.constant 0 : i32
        %dma_start3A_283 = arith.constant 0 : i32
        %dma_start3A_284 = tpu.memref_slice %arg3[%dma_start3A_282, %dma_start3A_283] : memref<1000001x128xf32, #tpu.memory_space<hbm>> -> memref<1000001x128xf32, #tpu.memory_space<hbm>>
        tpu.enqueue_indirect_dma source(%dma_start3A_284 : memref<1000001x128xf32, #tpu.memory_space<hbm>>) target(%dma_start3A_279 : memref<128x128xf32, #tpu.memory_space<vmem>>) offsets(%dma_start3A_281 : memref<128xi32, #tpu.memory_space<vmem>>) semaphore(%arg13 : memref<!tpu.dma_semaphore, #tpu.memory_space<semaphore_mem>>)
      } else {
      }
      %eq3A_202 = arith.constant 16 : i32
      %eq3A_203 = arith.cmpi eq, %scan3A_198, %eq3A_202 : i32
      %convert_element_type3A_204 = arith.extui %eq3A_203 : i1 to i32
      %cond3A_205 = arith.constant 0 : i32
      %cond3A_206 = arith.cmpi ne, %convert_element_type3A_204, %cond3A_205 : i32
      scf.if %cond3A_206 {
        %dma_wait3A_250 = arith.constant 1 : i32
        %dma_wait3A_251 = arith.constant 0 : i32
        %dma_wait3A_252 = arith.constant 0 : i32
        %dma_wait3A_253 = tpu.memref_slice %arg11[%dma_wait3A_250, %dma_wait3A_251, %dma_wait3A_252] : memref<2x128x128xf32, #tpu.memory_space<vmem>> -> memref<1x128x128xf32, #tpu.memory_space<vmem>>
        %dma_wait3A_254 = tpu.memref_squeeze %dma_wait3A_253 : memref<1x128x128xf32, #tpu.memory_space<vmem>> -> memref<128x128xf32, #tpu.memory_space<vmem>>
        %dma_wait3A_255 = arith.constant 128 : i32
        %dma_wait3A_256 = tpu.memref_slice %arg8[%dma_wait3A_255] : memref<512xi32, #tpu.memory_space<vmem>> -> memref<128xi32, #tpu.memory_space<vmem>>
        %dma_wait3A_257 = arith.constant 0 : i32
        %dma_wait3A_258 = arith.constant 0 : i32
        %dma_wait3A_259 = tpu.memref_slice %arg3[%dma_wait3A_257, %dma_wait3A_258] : memref<1000001x128xf32, #tpu.memory_space<hbm>> -> memref<1000001x128xf32, #tpu.memory_space<hbm>>
        tpu.wait_indirect_dma semaphore(%arg13 : memref<!tpu.dma_semaphore, #tpu.memory_space<semaphore_mem>>) src(%dma_wait3A_259 : memref<1000001x128xf32, #tpu.memory_space<hbm>>) dst(%dma_wait3A_254 : memref<128x128xf32, #tpu.memory_space<vmem>>)
        %add3A_260 = arith.constant 128 : i32
        %add3A_261 = arith.addi %mul3A_2, %add3A_260 : i32
        %dma_start3A_262 = arith.constant 1 : i32
        %dma_start3A_263 = arith.constant 0 : i32
        %dma_start3A_264 = arith.constant 0 : i32
        %dma_start3A_265 = tpu.memref_slice %arg11[%dma_start3A_262, %dma_start3A_263, %dma_start3A_264] : memref<2x128x128xf32, #tpu.memory_space<vmem>> -> memref<1x128x128xf32, #tpu.memory_space<vmem>>
        %dma_start3A_266 = tpu.memref_squeeze %dma_start3A_265 : memref<1x128x128xf32, #tpu.memory_space<vmem>> -> memref<128x128xf32, #tpu.memory_space<vmem>>
        %dma_start3A_267 = arith.constant 0 : i32
        %dma_start3A_268 = tpu.memref_slice %arg6[%add3A_261, %dma_start3A_267] : memref<16384x128xf32, #tpu.memory_space<hbm>> -> memref<128x128xf32, #tpu.memory_space<hbm>>
        %dma_start3A_269 = arith.constant 0 : i32
        %dma_start3A_270 = tpu.memref_slice %arg6[%add3A_261, %dma_start3A_269] : memref<16384x128xf32, #tpu.memory_space<hbm>> -> memref<128x128xf32, #tpu.memory_space<hbm>>
        %dma_start3A_271 = arith.constant 0 : i32
        %dma_start3A_272 = arith.constant 0 : i32
        %dma_start3A_273 = tpu.memref_slice %arg11[%dma_start3A_262, %dma_start3A_271, %dma_start3A_272] : memref<2x128x128xf32, #tpu.memory_space<vmem>> -> memref<1x128x128xf32, #tpu.memory_space<vmem>>
        %dma_start3A_274 = tpu.memref_squeeze %dma_start3A_273 : memref<1x128x128xf32, #tpu.memory_space<vmem>> -> memref<128x128xf32, #tpu.memory_space<vmem>>
        tpu.enqueue_dma source(%dma_start3A_274 : memref<128x128xf32, #tpu.memory_space<vmem>>) target(%dma_start3A_270 : memref<128x128xf32, #tpu.memory_space<hbm>>) target_semaphore(%arg14 : memref<!tpu.dma_semaphore, #tpu.memory_space<semaphore_mem>>)
        %add3A_275 = arith.constant 0 : i32
        %add3A_276 = arith.addi %mul3A_2, %add3A_275 : i32
        %dma_wait3A_277 = arith.constant 0 : i32
        %dma_wait3A_278 = arith.constant 0 : i32
        %dma_wait3A_279 = arith.constant 0 : i32
        %dma_wait3A_280 = tpu.memref_slice %arg11[%dma_wait3A_277, %dma_wait3A_278, %dma_wait3A_279] : memref<2x128x128xf32, #tpu.memory_space<vmem>> -> memref<1x128x128xf32, #tpu.memory_space<vmem>>
        %dma_wait3A_281 = tpu.memref_squeeze %dma_wait3A_280 : memref<1x128x128xf32, #tpu.memory_space<vmem>> -> memref<128x128xf32, #tpu.memory_space<vmem>>
        %dma_wait3A_282 = arith.constant 0 : i32
        %dma_wait3A_283 = tpu.memref_slice %arg6[%add3A_276, %dma_wait3A_282] : memref<16384x128xf32, #tpu.memory_space<hbm>> -> memref<128x128xf32, #tpu.memory_space<hbm>>
        %dma_wait3A_284 = arith.constant 0 : i32
        %dma_wait3A_285 = tpu.memref_slice %arg6[%add3A_276, %dma_wait3A_284] : memref<16384x128xf32, #tpu.memory_space<hbm>> -> memref<128x128xf32, #tpu.memory_space<hbm>>
        %dma_wait3A_286 = arith.constant 0 : i32
        %dma_wait3A_287 = arith.constant 0 : i32
        %dma_wait3A_288 = tpu.memref_slice %arg11[%dma_wait3A_277, %dma_wait3A_286, %dma_wait3A_287] : memref<2x128x128xf32, #tpu.memory_space<vmem>> -> memref<1x128x128xf32, #tpu.memory_space<vmem>>
        %dma_wait3A_289 = tpu.memref_squeeze %dma_wait3A_288 : memref<1x128x128xf32, #tpu.memory_space<vmem>> -> memref<128x128xf32, #tpu.memory_space<vmem>>
        tpu.wait_dma2 semaphore(%arg14 : memref<!tpu.dma_semaphore, #tpu.memory_space<semaphore_mem>>) src(%dma_wait3A_289 : memref<128x128xf32, #tpu.memory_space<vmem>>) dst(%dma_wait3A_285 : memref<128x128xf32, #tpu.memory_space<hbm>>)
        %dma_start3A_290 = arith.constant 0 : i32
        %dma_start3A_291 = arith.constant 0 : i32
        %dma_start3A_292 = arith.constant 0 : i32
        %dma_start3A_293 = tpu.memref_slice %arg11[%dma_start3A_290, %dma_start3A_291, %dma_start3A_292] : memref<2x128x128xf32, #tpu.memory_space<vmem>> -> memref<1x128x128xf32, #tpu.memory_space<vmem>>
        %dma_start3A_294 = tpu.memref_squeeze %dma_start3A_293 : memref<1x128x128xf32, #tpu.memory_space<vmem>> -> memref<128x128xf32, #tpu.memory_space<vmem>>
        %dma_start3A_295 = arith.constant 256 : i32
        %dma_start3A_296 = tpu.memref_slice %arg8[%dma_start3A_295] : memref<512xi32, #tpu.memory_space<vmem>> -> memref<128xi32, #tpu.memory_space<vmem>>
        %dma_start3A_297 = arith.constant 0 : i32
        %dma_start3A_298 = arith.constant 0 : i32
        %dma_start3A_299 = tpu.memref_slice %arg3[%dma_start3A_297, %dma_start3A_298] : memref<1000001x128xf32, #tpu.memory_space<hbm>> -> memref<1000001x128xf32, #tpu.memory_space<hbm>>
        tpu.enqueue_indirect_dma source(%dma_start3A_299 : memref<1000001x128xf32, #tpu.memory_space<hbm>>) target(%dma_start3A_294 : memref<128x128xf32, #tpu.memory_space<vmem>>) offsets(%dma_start3A_296 : memref<128xi32, #tpu.memory_space<vmem>>) semaphore(%arg13 : memref<!tpu.dma_semaphore, #tpu.memory_space<semaphore_mem>>)
      } else {
      }
      %eq3A_207 = arith.constant 24 : i32
      %eq3A_208 = arith.cmpi eq, %scan3A_198, %eq3A_207 : i32
      %convert_element_type3A_209 = arith.extui %eq3A_208 : i1 to i32
      %cond3A_210 = arith.constant 0 : i32
      %cond3A_211 = arith.cmpi ne, %convert_element_type3A_209, %cond3A_210 : i32
      scf.if %cond3A_211 {
        %dma_wait3A_250 = arith.constant 0 : i32
        %dma_wait3A_251 = arith.constant 0 : i32
        %dma_wait3A_252 = arith.constant 0 : i32
        %dma_wait3A_253 = tpu.memref_slice %arg11[%dma_wait3A_250, %dma_wait3A_251, %dma_wait3A_252] : memref<2x128x128xf32, #tpu.memory_space<vmem>> -> memref<1x128x128xf32, #tpu.memory_space<vmem>>
        %dma_wait3A_254 = tpu.memref_squeeze %dma_wait3A_253 : memref<1x128x128xf32, #tpu.memory_space<vmem>> -> memref<128x128xf32, #tpu.memory_space<vmem>>
        %dma_wait3A_255 = arith.constant 256 : i32
        %dma_wait3A_256 = tpu.memref_slice %arg8[%dma_wait3A_255] : memref<512xi32, #tpu.memory_space<vmem>> -> memref<128xi32, #tpu.memory_space<vmem>>
        %dma_wait3A_257 = arith.constant 0 : i32
        %dma_wait3A_258 = arith.constant 0 : i32
        %dma_wait3A_259 = tpu.memref_slice %arg3[%dma_wait3A_257, %dma_wait3A_258] : memref<1000001x128xf32, #tpu.memory_space<hbm>> -> memref<1000001x128xf32, #tpu.memory_space<hbm>>
        tpu.wait_indirect_dma semaphore(%arg13 : memref<!tpu.dma_semaphore, #tpu.memory_space<semaphore_mem>>) src(%dma_wait3A_259 : memref<1000001x128xf32, #tpu.memory_space<hbm>>) dst(%dma_wait3A_254 : memref<128x128xf32, #tpu.memory_space<vmem>>)
        %add3A_260 = arith.constant 256 : i32
        %add3A_261 = arith.addi %mul3A_2, %add3A_260 : i32
        %dma_start3A_262 = arith.constant 0 : i32
        %dma_start3A_263 = arith.constant 0 : i32
        %dma_start3A_264 = arith.constant 0 : i32
        %dma_start3A_265 = tpu.memref_slice %arg11[%dma_start3A_262, %dma_start3A_263, %dma_start3A_264] : memref<2x128x128xf32, #tpu.memory_space<vmem>> -> memref<1x128x128xf32, #tpu.memory_space<vmem>>
        %dma_start3A_266 = tpu.memref_squeeze %dma_start3A_265 : memref<1x128x128xf32, #tpu.memory_space<vmem>> -> memref<128x128xf32, #tpu.memory_space<vmem>>
        %dma_start3A_267 = arith.constant 0 : i32
        %dma_start3A_268 = tpu.memref_slice %arg6[%add3A_261, %dma_start3A_267] : memref<16384x128xf32, #tpu.memory_space<hbm>> -> memref<128x128xf32, #tpu.memory_space<hbm>>
        %dma_start3A_269 = arith.constant 0 : i32
        %dma_start3A_270 = tpu.memref_slice %arg6[%add3A_261, %dma_start3A_269] : memref<16384x128xf32, #tpu.memory_space<hbm>> -> memref<128x128xf32, #tpu.memory_space<hbm>>
        %dma_start3A_271 = arith.constant 0 : i32
        %dma_start3A_272 = arith.constant 0 : i32
        %dma_start3A_273 = tpu.memref_slice %arg11[%dma_start3A_262, %dma_start3A_271, %dma_start3A_272] : memref<2x128x128xf32, #tpu.memory_space<vmem>> -> memref<1x128x128xf32, #tpu.memory_space<vmem>>
        %dma_start3A_274 = tpu.memref_squeeze %dma_start3A_273 : memref<1x128x128xf32, #tpu.memory_space<vmem>> -> memref<128x128xf32, #tpu.memory_space<vmem>>
        tpu.enqueue_dma source(%dma_start3A_274 : memref<128x128xf32, #tpu.memory_space<vmem>>) target(%dma_start3A_270 : memref<128x128xf32, #tpu.memory_space<hbm>>) target_semaphore(%arg14 : memref<!tpu.dma_semaphore, #tpu.memory_space<semaphore_mem>>)
        %add3A_275 = arith.constant 128 : i32
        %add3A_276 = arith.addi %mul3A_2, %add3A_275 : i32
        %dma_wait3A_277 = arith.constant 1 : i32
        %dma_wait3A_278 = arith.constant 0 : i32
        %dma_wait3A_279 = arith.constant 0 : i32
        %dma_wait3A_280 = tpu.memref_slice %arg11[%dma_wait3A_277, %dma_wait3A_278, %dma_wait3A_279] : memref<2x128x128xf32, #tpu.memory_space<vmem>> -> memref<1x128x128xf32, #tpu.memory_space<vmem>>
        %dma_wait3A_281 = tpu.memref_squeeze %dma_wait3A_280 : memref<1x128x128xf32, #tpu.memory_space<vmem>> -> memref<128x128xf32, #tpu.memory_space<vmem>>
        %dma_wait3A_282 = arith.constant 0 : i32
        %dma_wait3A_283 = tpu.memref_slice %arg6[%add3A_276, %dma_wait3A_282] : memref<16384x128xf32, #tpu.memory_space<hbm>> -> memref<128x128xf32, #tpu.memory_space<hbm>>
        %dma_wait3A_284 = arith.constant 0 : i32
        %dma_wait3A_285 = tpu.memref_slice %arg6[%add3A_276, %dma_wait3A_284] : memref<16384x128xf32, #tpu.memory_space<hbm>> -> memref<128x128xf32, #tpu.memory_space<hbm>>
        %dma_wait3A_286 = arith.constant 0 : i32
        %dma_wait3A_287 = arith.constant 0 : i32
        %dma_wait3A_288 = tpu.memref_slice %arg11[%dma_wait3A_277, %dma_wait3A_286, %dma_wait3A_287] : memref<2x128x128xf32, #tpu.memory_space<vmem>> -> memref<1x128x128xf32, #tpu.memory_space<vmem>>
        %dma_wait3A_289 = tpu.memref_squeeze %dma_wait3A_288 : memref<1x128x128xf32, #tpu.memory_space<vmem>> -> memref<128x128xf32, #tpu.memory_space<vmem>>
        tpu.wait_dma2 semaphore(%arg14 : memref<!tpu.dma_semaphore, #tpu.memory_space<semaphore_mem>>) src(%dma_wait3A_289 : memref<128x128xf32, #tpu.memory_space<vmem>>) dst(%dma_wait3A_285 : memref<128x128xf32, #tpu.memory_space<hbm>>)
        %dma_start3A_290 = arith.constant 1 : i32
        %dma_start3A_291 = arith.constant 0 : i32
        %dma_start3A_292 = arith.constant 0 : i32
        %dma_start3A_293 = tpu.memref_slice %arg11[%dma_start3A_290, %dma_start3A_291, %dma_start3A_292] : memref<2x128x128xf32, #tpu.memory_space<vmem>> -> memref<1x128x128xf32, #tpu.memory_space<vmem>>
        %dma_start3A_294 = tpu.memref_squeeze %dma_start3A_293 : memref<1x128x128xf32, #tpu.memory_space<vmem>> -> memref<128x128xf32, #tpu.memory_space<vmem>>
        %dma_start3A_295 = arith.constant 384 : i32
        %dma_start3A_296 = tpu.memref_slice %arg8[%dma_start3A_295] : memref<512xi32, #tpu.memory_space<vmem>> -> memref<128xi32, #tpu.memory_space<vmem>>
        %dma_start3A_297 = arith.constant 0 : i32
        %dma_start3A_298 = arith.constant 0 : i32
        %dma_start3A_299 = tpu.memref_slice %arg3[%dma_start3A_297, %dma_start3A_298] : memref<1000001x128xf32, #tpu.memory_space<hbm>> -> memref<1000001x128xf32, #tpu.memory_space<hbm>>
        tpu.enqueue_indirect_dma source(%dma_start3A_299 : memref<1000001x128xf32, #tpu.memory_space<hbm>>) target(%dma_start3A_294 : memref<128x128xf32, #tpu.memory_space<vmem>>) offsets(%dma_start3A_296 : memref<128xi32, #tpu.memory_space<vmem>>) semaphore(%arg13 : memref<!tpu.dma_semaphore, #tpu.memory_space<semaphore_mem>>)
      } else {
      }
      %mul3A_212 = arith.constant 16 : i32
      %mul3A_213 = arith.muli %scan3A_198, %mul3A_212 : i32
      %ge3A = arith.constant 2 : i32
      %ge3A_214 = arith.cmpi sge, %scan3A_198, %ge3A : i32
      %convert_element_type3A_215 = arith.extui %ge3A_214 : i1 to i32
      %cond3A_216 = arith.constant 0 : i32
      %cond3A_217 = arith.cmpi ne, %convert_element_type3A_215, %cond3A_216 : i32
      scf.if %cond3A_217 {
        %jit3A_250 = arith.constant 2 : i32
        %eq3A_251 = arith.constant 0 : i32
        %eq3A_252 = arith.cmpi eq, %jit3A_250, %eq3A_251 : i32
        %jit3A_253 = arith.constant 1 : i32
        %select_n3A_254 = arith.select %eq3A_252, %jit3A_253, %jit3A_250 : i32
        %rem3A_255 = arith.remsi %scan3A_198, %select_n3A_254 : i32
        %ne3A_256 = arith.constant 0 : i32
        %ne3A_257 = arith.cmpi ne, %rem3A_255, %ne3A_256 : i32
        %lt3A_258 = arith.constant 0 : i32
        %lt3A_259 = arith.cmpi slt, %rem3A_255, %lt3A_258 : i32
        %lt3A_260 = arith.constant 0 : i32
        %lt3A_261 = arith.cmpi slt, %select_n3A_254, %lt3A_260 : i32
        %ne3A_262 = arith.xori %lt3A_259, %lt3A_261 : i1
        %and3A_263 = arith.andi %ne3A_262, %ne3A_257 : i1
        %add3A_264 = arith.addi %rem3A_255, %select_n3A_254 : i32
        %select_n3A_265 = arith.select %and3A_263, %add3A_264, %rem3A_255 : i32
        %add3A_266 = arith.addi %mul3A_2, %mul3A_213 : i32
        %sub3A = arith.constant 32 : i32
        %sub3A_267 = arith.subi %add3A_266, %sub3A : i32
        %dma_wait3A_268 = arith.constant 0 : i32
        %dma_wait3A_269 = arith.constant 0 : i32
        %dma_wait3A_270 = tpu.memref_slice %arg12[%select_n3A_265, %dma_wait3A_268, %dma_wait3A_269] : memref<2x16x64xf32, #tpu.memory_space<vmem>> -> memref<1x16x64xf32, #tpu.memory_space<vmem>>
        %dma_wait3A_271 = tpu.memref_squeeze %dma_wait3A_270 : memref<1x16x64xf32, #tpu.memory_space<vmem>> -> memref<16x64xf32, #tpu.memory_space<vmem>>
        %dma_wait3A_272 = arith.constant 0 : i32
        %dma_wait3A_273 = tpu.memref_slice %arg7[%sub3A_267, %dma_wait3A_272] : memref<16384x64xf32, #tpu.memory_space<hbm>> -> memref<16x64xf32, #tpu.memory_space<hbm>>
        %dma_wait3A_274 = arith.constant 0 : i32
        %dma_wait3A_275 = tpu.memref_slice %arg7[%sub3A_267, %dma_wait3A_274] : memref<16384x64xf32, #tpu.memory_space<hbm>> -> memref<16x64xf32, #tpu.memory_space<hbm>>
        %dma_wait3A_276 = arith.constant 0 : i32
        %dma_wait3A_277 = arith.constant 0 : i32
        %dma_wait3A_278 = tpu.memref_slice %arg12[%select_n3A_265, %dma_wait3A_276, %dma_wait3A_277] : memref<2x16x64xf32, #tpu.memory_space<vmem>> -> memref<1x16x64xf32, #tpu.memory_space<vmem>>
        %dma_wait3A_279 = tpu.memref_squeeze %dma_wait3A_278 : memref<1x16x64xf32, #tpu.memory_space<vmem>> -> memref<16x64xf32, #tpu.memory_space<vmem>>
        tpu.wait_dma2 semaphore(%arg15 : memref<!tpu.dma_semaphore, #tpu.memory_space<semaphore_mem>>) src(%dma_wait3A_279 : memref<16x64xf32, #tpu.memory_space<vmem>>) dst(%dma_wait3A_275 : memref<16x64xf32, #tpu.memory_space<hbm>>)
      } else {
      }
      %scan3A_218 = arith.constant 0 : i32
      %scan3A_219 = arith.constant 0 : i32
      %scan3A_220 = arith.constant 4 : i32
      %scan3A_221 = arith.addi %scan3A_219, %scan3A_220 : i32
      %scan3A_222 = arith.constant 1 : i32
      %scan3A_223 = scf.for %scan3A_250 = %scan3A_219 to %scan3A_221 step %scan3A_222 iter_args(%scan3A_251 = %scan3A_218) -> (i32)  : i32 {
        %mul3A_252 = arith.constant 16 : i32
        %mul3A_253 = arith.muli %scan3A_250, %mul3A_252 : i32
        %broadcast_in_dim3A = arith.constant 0.000000e+00 : f32
        %broadcast_in_dim3A_254 = vector.broadcast %broadcast_in_dim3A : f32 to vector<16xf32>
        %broadcast_in_dim3A_255 = arith.constant 0.000000e+00 : f32
        %broadcast_in_dim3A_256 = vector.broadcast %broadcast_in_dim3A_255 : f32 to vector<16xf32>
        %broadcast_in_dim3A_257 = arith.constant 0.000000e+00 : f32
        %broadcast_in_dim3A_258 = vector.broadcast %broadcast_in_dim3A_257 : f32 to vector<16xf32>
        %broadcast_in_dim3A_259 = arith.constant 0.000000e+00 : f32
        %broadcast_in_dim3A_260 = vector.broadcast %broadcast_in_dim3A_259 : f32 to vector<16xf32>
        %broadcast_in_dim3A_261 = arith.constant 0.000000e+00 : f32
        %broadcast_in_dim3A_262 = vector.broadcast %broadcast_in_dim3A_261 : f32 to vector<16xf32>
        %broadcast_in_dim3A_263 = arith.constant 0.000000e+00 : f32
        %broadcast_in_dim3A_264 = vector.broadcast %broadcast_in_dim3A_263 : f32 to vector<16xf32>
        %broadcast_in_dim3A_265 = arith.constant 0.000000e+00 : f32
        %broadcast_in_dim3A_266 = vector.broadcast %broadcast_in_dim3A_265 : f32 to vector<16xf32>
        %broadcast_in_dim3A_267 = arith.constant 0.000000e+00 : f32
        %broadcast_in_dim3A_268 = vector.broadcast %broadcast_in_dim3A_267 : f32 to vector<16xf32>
        %broadcast_in_dim3A_269 = arith.constant 0.000000e+00 : f32
        %broadcast_in_dim3A_270 = vector.broadcast %broadcast_in_dim3A_269 : f32 to vector<16xf32>
        %broadcast_in_dim3A_271 = arith.constant 0.000000e+00 : f32
        %broadcast_in_dim3A_272 = vector.broadcast %broadcast_in_dim3A_271 : f32 to vector<16xf32>
        %broadcast_in_dim3A_273 = arith.constant 0.000000e+00 : f32
        %broadcast_in_dim3A_274 = vector.broadcast %broadcast_in_dim3A_273 : f32 to vector<16xf32>
        %broadcast_in_dim3A_275 = arith.constant 0.000000e+00 : f32
        %broadcast_in_dim3A_276 = vector.broadcast %broadcast_in_dim3A_275 : f32 to vector<16xf32>
        %broadcast_in_dim3A_277 = arith.constant 0.000000e+00 : f32
        %broadcast_in_dim3A_278 = vector.broadcast %broadcast_in_dim3A_277 : f32 to vector<16xf32>
        %broadcast_in_dim3A_279 = arith.constant 0.000000e+00 : f32
        %broadcast_in_dim3A_280 = vector.broadcast %broadcast_in_dim3A_279 : f32 to vector<16xf32>
        %broadcast_in_dim3A_281 = arith.constant 0.000000e+00 : f32
        %broadcast_in_dim3A_282 = vector.broadcast %broadcast_in_dim3A_281 : f32 to vector<16xf32>
        %broadcast_in_dim3A_283 = arith.constant 0.000000e+00 : f32
        %broadcast_in_dim3A_284 = vector.broadcast %broadcast_in_dim3A_283 : f32 to vector<16xf32>
        %scan3A_285 = arith.constant 0 : i32
        %scan3A_286 = arith.constant 50 : i32
        %scan3A_287 = arith.addi %scan3A_285, %scan3A_286 : i32
        %scan3A_288 = arith.constant 1 : i32
        %scan3A_289:16 = scf.for %scan3A_675 = %scan3A_285 to %scan3A_287 step %scan3A_288 iter_args(%scan3A_676 = %broadcast_in_dim3A_254, %scan3A_677 = %broadcast_in_dim3A_256, %scan3A_678 = %broadcast_in_dim3A_258, %scan3A_679 = %broadcast_in_dim3A_260, %scan3A_680 = %broadcast_in_dim3A_262, %scan3A_681 = %broadcast_in_dim3A_264, %scan3A_682 = %broadcast_in_dim3A_266, %scan3A_683 = %broadcast_in_dim3A_268, %scan3A_684 = %broadcast_in_dim3A_270, %scan3A_685 = %broadcast_in_dim3A_272, %scan3A_686 = %broadcast_in_dim3A_274, %scan3A_687 = %broadcast_in_dim3A_276, %scan3A_688 = %broadcast_in_dim3A_278, %scan3A_689 = %broadcast_in_dim3A_280, %scan3A_690 = %broadcast_in_dim3A_282, %scan3A_691 = %broadcast_in_dim3A_284) -> (vector<16xf32>, vector<16xf32>, vector<16xf32>, vector<16xf32>, vector<16xf32>, vector<16xf32>, vector<16xf32>, vector<16xf32>, vector<16xf32>, vector<16xf32>, vector<16xf32>, vector<16xf32>, vector<16xf32>, vector<16xf32>, vector<16xf32>, vector<16xf32>)  : i32 {
          %get3A = arith.index_cast %scan3A_675 : i32 to index
          %get3A_692 = arith.index_cast %mul3A_213 : i32 to index
          %get3A_693 = tpu.vector_load %arg9[%get3A, %get3A_692] {strides = array<i32>} : memref<50x512xi32, #tpu.memory_space<vmem>>, vector<16xi32>,
          %mul3A_694 = arith.constant 64 : i32
          %mul3A_695 = vector.broadcast %mul3A_694 : i32 to vector<16xi32>
          %mul3A_696 = arith.muli %get3A_693, %mul3A_695 : vector<16xi32>
          %add3A_697 = vector.broadcast %mul3A_253 : i32 to vector<16xi32>
          %add3A_698 = arith.addi %mul3A_696, %add3A_697 : vector<16xi32>
          %add3A_699 = arith.addi %add3A_698, %and3A_16 : vector<16xi32>
          %gather3A = tpu.vector_load_idx %arg10[%add3A_699] : memref<64064xf32, #tpu.memory_space<vmem>>[vector<16xi32>], vector<16xf32>,
          %add3A_700 = arith.addf %scan3A_676, %gather3A : vector<16xf32>
          %add3A_701 = arith.addi %add3A_698, %and3A_22 : vector<16xi32>
          %gather3A_702 = tpu.vector_load_idx %arg10[%add3A_701] : memref<64064xf32, #tpu.memory_space<vmem>>[vector<16xi32>], vector<16xf32>,
          %add3A_703 = arith.addf %scan3A_677, %gather3A_702 : vector<16xf32>
          %add3A_704 = arith.addi %add3A_698, %and3A_28 : vector<16xi32>
          %gather3A_705 = tpu.vector_load_idx %arg10[%add3A_704] : memref<64064xf32, #tpu.memory_space<vmem>>[vector<16xi32>], vector<16xf32>,
          %add3A_706 = arith.addf %scan3A_678, %gather3A_705 : vector<16xf32>
          %add3A_707 = arith.addi %add3A_698, %and3A_34 : vector<16xi32>
          %gather3A_708 = tpu.vector_load_idx %arg10[%add3A_707] : memref<64064xf32, #tpu.memory_space<vmem>>[vector<16xi32>], vector<16xf32>,
          %add3A_709 = arith.addf %scan3A_679, %gather3A_708 : vector<16xf32>
          %add3A_710 = arith.addi %add3A_698, %and3A_40 : vector<16xi32>
          %gather3A_711 = tpu.vector_load_idx %arg10[%add3A_710] : memref<64064xf32, #tpu.memory_space<vmem>>[vector<16xi32>], vector<16xf32>,
          %add3A_712 = arith.addf %scan3A_680, %gather3A_711 : vector<16xf32>
          %add3A_713 = arith.addi %add3A_698, %and3A_46 : vector<16xi32>
          %gather3A_714 = tpu.vector_load_idx %arg10[%add3A_713] : memref<64064xf32, #tpu.memory_space<vmem>>[vector<16xi32>], vector<16xf32>,
          %add3A_715 = arith.addf %scan3A_681, %gather3A_714 : vector<16xf32>
          %add3A_716 = arith.addi %add3A_698, %and3A_52 : vector<16xi32>
          %gather3A_717 = tpu.vector_load_idx %arg10[%add3A_716] : memref<64064xf32, #tpu.memory_space<vmem>>[vector<16xi32>], vector<16xf32>,
          %add3A_718 = arith.addf %scan3A_682, %gather3A_717 : vector<16xf32>
          %add3A_719 = arith.addi %add3A_698, %and3A_58 : vector<16xi32>
          %gather3A_720 = tpu.vector_load_idx %arg10[%add3A_719] : memref<64064xf32, #tpu.memory_space<vmem>>[vector<16xi32>], vector<16xf32>,
          %add3A_721 = arith.addf %scan3A_683, %gather3A_720 : vector<16xf32>
          %add3A_722 = arith.addi %add3A_698, %and3A_64 : vector<16xi32>
          %gather3A_723 = tpu.vector_load_idx %arg10[%add3A_722] : memref<64064xf32, #tpu.memory_space<vmem>>[vector<16xi32>], vector<16xf32>,
          %add3A_724 = arith.addf %scan3A_684, %gather3A_723 : vector<16xf32>
          %add3A_725 = arith.addi %add3A_698, %and3A_70 : vector<16xi32>
          %gather3A_726 = tpu.vector_load_idx %arg10[%add3A_725] : memref<64064xf32, #tpu.memory_space<vmem>>[vector<16xi32>], vector<16xf32>,
          %add3A_727 = arith.addf %scan3A_685, %gather3A_726 : vector<16xf32>
          %add3A_728 = arith.addi %add3A_698, %and3A_76 : vector<16xi32>
          %gather3A_729 = tpu.vector_load_idx %arg10[%add3A_728] : memref<64064xf32, #tpu.memory_space<vmem>>[vector<16xi32>], vector<16xf32>,
          %add3A_730 = arith.addf %scan3A_686, %gather3A_729 : vector<16xf32>
          %add3A_731 = arith.addi %add3A_698, %and3A_82 : vector<16xi32>
          %gather3A_732 = tpu.vector_load_idx %arg10[%add3A_731] : memref<64064xf32, #tpu.memory_space<vmem>>[vector<16xi32>], vector<16xf32>,
          %add3A_733 = arith.addf %scan3A_687, %gather3A_732 : vector<16xf32>
          %add3A_734 = arith.addi %add3A_698, %and3A_88 : vector<16xi32>
          %gather3A_735 = tpu.vector_load_idx %arg10[%add3A_734] : memref<64064xf32, #tpu.memory_space<vmem>>[vector<16xi32>], vector<16xf32>,
          %add3A_736 = arith.addf %scan3A_688, %gather3A_735 : vector<16xf32>
          %add3A_737 = arith.addi %add3A_698, %and3A_94 : vector<16xi32>
          %gather3A_738 = tpu.vector_load_idx %arg10[%add3A_737] : memref<64064xf32, #tpu.memory_space<vmem>>[vector<16xi32>], vector<16xf32>,
          %add3A_739 = arith.addf %scan3A_689, %gather3A_738 : vector<16xf32>
          %add3A_740 = arith.addi %add3A_698, %and3A_100 : vector<16xi32>
          %gather3A_741 = tpu.vector_load_idx %arg10[%add3A_740] : memref<64064xf32, #tpu.memory_space<vmem>>[vector<16xi32>], vector<16xf32>,
          %add3A_742 = arith.addf %scan3A_690, %gather3A_741 : vector<16xf32>
          %add3A_743 = arith.addi %add3A_698, %and3A_106 : vector<16xi32>
          %gather3A_744 = tpu.vector_load_idx %arg10[%add3A_743] : memref<64064xf32, #tpu.memory_space<vmem>>[vector<16xi32>], vector<16xf32>,
          %add3A_745 = arith.addf %scan3A_691, %gather3A_744 : vector<16xf32>
          scf.yield %add3A_700, %add3A_703, %add3A_706, %add3A_709, %add3A_712, %add3A_715, %add3A_718, %add3A_721, %add3A_724, %add3A_727, %add3A_730, %add3A_733, %add3A_736, %add3A_739, %add3A_742, %add3A_745 : vector<16xf32>, vector<16xf32>, vector<16xf32>, vector<16xf32>, vector<16xf32>, vector<16xf32>, vector<16xf32>, vector<16xf32>, vector<16xf32>, vector<16xf32>, vector<16xf32>, vector<16xf32>, vector<16xf32>, vector<16xf32>, vector<16xf32>, vector<16xf32>
        }
        %scan3A_290 = arith.constant 50 : i32
        %jit3A_291 = arith.constant 2 : i32
        %eq3A_292 = arith.constant 0 : i32
        %eq3A_293 = arith.cmpi eq, %jit3A_291, %eq3A_292 : i32
        %jit3A_294 = arith.constant 1 : i32
        %select_n3A_295 = arith.select %eq3A_293, %jit3A_294, %jit3A_291 : i32
        %rem3A_296 = arith.remsi %scan3A_198, %select_n3A_295 : i32
        %ne3A_297 = arith.constant 0 : i32
        %ne3A_298 = arith.cmpi ne, %rem3A_296, %ne3A_297 : i32
        %lt3A_299 = arith.constant 0 : i32
        %lt3A_300 = arith.cmpi slt, %rem3A_296, %lt3A_299 : i32
        %lt3A_301 = arith.constant 0 : i32
        %lt3A_302 = arith.cmpi slt, %select_n3A_295, %lt3A_301 : i32
        %ne3A_303 = arith.xori %lt3A_300, %lt3A_302 : i1
        %and3A_304 = arith.andi %ne3A_303, %ne3A_298 : i1
        %add3A_305 = arith.addi %rem3A_296, %select_n3A_295 : i32
        %select_n3A_306 = arith.select %and3A_304, %add3A_305, %rem3A_296 : i32
        %add3A_307 = vector.broadcast %mul3A_253 : i32 to vector<16xi32>
        %add3A_308 = arith.addi %add3A_307, %and3A_16 : vector<16xi32>
        %mul3A_309 = vector.broadcast %scan3A : f32 to vector<16xf32>
        %mul3A_310 = arith.mulf %scan3A_289#0, %mul3A_309 : vector<16xf32>
        %scatter3A = arith.constant 0 : i32
        %scatter3A_311 = arith.constant 0 : i32
        %scatter3A_312 = tpu.memref_slice %arg12[%select_n3A_306, %scatter3A, %scatter3A_311] : memref<2x16x64xf32, #tpu.memory_space<vmem>> -> memref<1x16x64xf32, #tpu.memory_space<vmem>>
        %scatter3A_313 = tpu.memref_squeeze %scatter3A_312 : memref<1x16x64xf32, #tpu.memory_space<vmem>> -> memref<16x64xf32, #tpu.memory_space<vmem>>
        tpu.vector_store_idx %scatter3A_313[%iota3A, %add3A_308], %mul3A_310 : memref<16x64xf32, #tpu.memory_space<vmem>>[vector<16xi32>, vector<16xi32>], vector<16xf32>,
        %jit3A_314 = arith.constant 2 : i32
        %eq3A_315 = arith.constant 0 : i32
        %eq3A_316 = arith.cmpi eq, %jit3A_314, %eq3A_315 : i32
        %jit3A_317 = arith.constant 1 : i32
        %select_n3A_318 = arith.select %eq3A_316, %jit3A_317, %jit3A_314 : i32
        %rem3A_319 = arith.remsi %scan3A_198, %select_n3A_318 : i32
        %ne3A_320 = arith.constant 0 : i32
        %ne3A_321 = arith.cmpi ne, %rem3A_319, %ne3A_320 : i32
        %lt3A_322 = arith.constant 0 : i32
        %lt3A_323 = arith.cmpi slt, %rem3A_319, %lt3A_322 : i32
        %lt3A_324 = arith.constant 0 : i32
        %lt3A_325 = arith.cmpi slt, %select_n3A_318, %lt3A_324 : i32
        %ne3A_326 = arith.xori %lt3A_323, %lt3A_325 : i1
        %and3A_327 = arith.andi %ne3A_326, %ne3A_321 : i1
        %add3A_328 = arith.addi %rem3A_319, %select_n3A_318 : i32
        %select_n3A_329 = arith.select %and3A_327, %add3A_328, %rem3A_319 : i32
        %add3A_330 = vector.broadcast %mul3A_253 : i32 to vector<16xi32>
        %add3A_331 = arith.addi %add3A_330, %and3A_22 : vector<16xi32>
        %mul3A_332 = vector.broadcast %scan3A : f32 to vector<16xf32>
        %mul3A_333 = arith.mulf %scan3A_289#1, %mul3A_332 : vector<16xf32>
        %scatter3A_334 = arith.constant 0 : i32
        %scatter3A_335 = arith.constant 0 : i32
        %scatter3A_336 = tpu.memref_slice %arg12[%select_n3A_329, %scatter3A_334, %scatter3A_335] : memref<2x16x64xf32, #tpu.memory_space<vmem>> -> memref<1x16x64xf32, #tpu.memory_space<vmem>>
        %scatter3A_337 = tpu.memref_squeeze %scatter3A_336 : memref<1x16x64xf32, #tpu.memory_space<vmem>> -> memref<16x64xf32, #tpu.memory_space<vmem>>
        tpu.vector_store_idx %scatter3A_337[%iota3A, %add3A_331], %mul3A_333 : memref<16x64xf32, #tpu.memory_space<vmem>>[vector<16xi32>, vector<16xi32>], vector<16xf32>,
        %jit3A_338 = arith.constant 2 : i32
        %eq3A_339 = arith.constant 0 : i32
        %eq3A_340 = arith.cmpi eq, %jit3A_338, %eq3A_339 : i32
        %jit3A_341 = arith.constant 1 : i32
        %select_n3A_342 = arith.select %eq3A_340, %jit3A_341, %jit3A_338 : i32
        %rem3A_343 = arith.remsi %scan3A_198, %select_n3A_342 : i32
        %ne3A_344 = arith.constant 0 : i32
        %ne3A_345 = arith.cmpi ne, %rem3A_343, %ne3A_344 : i32
        %lt3A_346 = arith.constant 0 : i32
        %lt3A_347 = arith.cmpi slt, %rem3A_343, %lt3A_346 : i32
        %lt3A_348 = arith.constant 0 : i32
        %lt3A_349 = arith.cmpi slt, %select_n3A_342, %lt3A_348 : i32
        %ne3A_350 = arith.xori %lt3A_347, %lt3A_349 : i1
        %and3A_351 = arith.andi %ne3A_350, %ne3A_345 : i1
        %add3A_352 = arith.addi %rem3A_343, %select_n3A_342 : i32
        %select_n3A_353 = arith.select %and3A_351, %add3A_352, %rem3A_343 : i32
        %add3A_354 = vector.broadcast %mul3A_253 : i32 to vector<16xi32>
        %add3A_355 = arith.addi %add3A_354, %and3A_28 : vector<16xi32>
        %mul3A_356 = vector.broadcast %scan3A : f32 to vector<16xf32>
        %mul3A_357 = arith.mulf %scan3A_289#2, %mul3A_356 : vector<16xf32>
        %scatter3A_358 = arith.constant 0 : i32
        %scatter3A_359 = arith.constant 0 : i32
        %scatter3A_360 = tpu.memref_slice %arg12[%select_n3A_353, %scatter3A_358, %scatter3A_359] : memref<2x16x64xf32, #tpu.memory_space<vmem>> -> memref<1x16x64xf32, #tpu.memory_space<vmem>>
        %scatter3A_361 = tpu.memref_squeeze %scatter3A_360 : memref<1x16x64xf32, #tpu.memory_space<vmem>> -> memref<16x64xf32, #tpu.memory_space<vmem>>
        tpu.vector_store_idx %scatter3A_361[%iota3A, %add3A_355], %mul3A_357 : memref<16x64xf32, #tpu.memory_space<vmem>>[vector<16xi32>, vector<16xi32>], vector<16xf32>,
        %jit3A_362 = arith.constant 2 : i32
        %eq3A_363 = arith.constant 0 : i32
        %eq3A_364 = arith.cmpi eq, %jit3A_362, %eq3A_363 : i32
        %jit3A_365 = arith.constant 1 : i32
        %select_n3A_366 = arith.select %eq3A_364, %jit3A_365, %jit3A_362 : i32
        %rem3A_367 = arith.remsi %scan3A_198, %select_n3A_366 : i32
        %ne3A_368 = arith.constant 0 : i32
        %ne3A_369 = arith.cmpi ne, %rem3A_367, %ne3A_368 : i32
        %lt3A_370 = arith.constant 0 : i32
        %lt3A_371 = arith.cmpi slt, %rem3A_367, %lt3A_370 : i32
        %lt3A_372 = arith.constant 0 : i32
        %lt3A_373 = arith.cmpi slt, %select_n3A_366, %lt3A_372 : i32
        %ne3A_374 = arith.xori %lt3A_371, %lt3A_373 : i1
        %and3A_375 = arith.andi %ne3A_374, %ne3A_369 : i1
        %add3A_376 = arith.addi %rem3A_367, %select_n3A_366 : i32
        %select_n3A_377 = arith.select %and3A_375, %add3A_376, %rem3A_367 : i32
        %add3A_378 = vector.broadcast %mul3A_253 : i32 to vector<16xi32>
        %add3A_379 = arith.addi %add3A_378, %and3A_34 : vector<16xi32>
        %mul3A_380 = vector.broadcast %scan3A : f32 to vector<16xf32>
        %mul3A_381 = arith.mulf %scan3A_289#3, %mul3A_380 : vector<16xf32>
        %scatter3A_382 = arith.constant 0 : i32
        %scatter3A_383 = arith.constant 0 : i32
        %scatter3A_384 = tpu.memref_slice %arg12[%select_n3A_377, %scatter3A_382, %scatter3A_383] : memref<2x16x64xf32, #tpu.memory_space<vmem>> -> memref<1x16x64xf32, #tpu.memory_space<vmem>>
        %scatter3A_385 = tpu.memref_squeeze %scatter3A_384 : memref<1x16x64xf32, #tpu.memory_space<vmem>> -> memref<16x64xf32, #tpu.memory_space<vmem>>
        tpu.vector_store_idx %scatter3A_385[%iota3A, %add3A_379], %mul3A_381 : memref<16x64xf32, #tpu.memory_space<vmem>>[vector<16xi32>, vector<16xi32>], vector<16xf32>,
        %jit3A_386 = arith.constant 2 : i32
        %eq3A_387 = arith.constant 0 : i32
        %eq3A_388 = arith.cmpi eq, %jit3A_386, %eq3A_387 : i32
        %jit3A_389 = arith.constant 1 : i32
        %select_n3A_390 = arith.select %eq3A_388, %jit3A_389, %jit3A_386 : i32
        %rem3A_391 = arith.remsi %scan3A_198, %select_n3A_390 : i32
        %ne3A_392 = arith.constant 0 : i32
        %ne3A_393 = arith.cmpi ne, %rem3A_391, %ne3A_392 : i32
        %lt3A_394 = arith.constant 0 : i32
        %lt3A_395 = arith.cmpi slt, %rem3A_391, %lt3A_394 : i32
        %lt3A_396 = arith.constant 0 : i32
        %lt3A_397 = arith.cmpi slt, %select_n3A_390, %lt3A_396 : i32
        %ne3A_398 = arith.xori %lt3A_395, %lt3A_397 : i1
        %and3A_399 = arith.andi %ne3A_398, %ne3A_393 : i1
        %add3A_400 = arith.addi %rem3A_391, %select_n3A_390 : i32
        %select_n3A_401 = arith.select %and3A_399, %add3A_400, %rem3A_391 : i32
        %add3A_402 = vector.broadcast %mul3A_253 : i32 to vector<16xi32>
        %add3A_403 = arith.addi %add3A_402, %and3A_40 : vector<16xi32>
        %mul3A_404 = vector.broadcast %scan3A : f32 to vector<16xf32>
        %mul3A_405 = arith.mulf %scan3A_289#4, %mul3A_404 : vector<16xf32>
        %scatter3A_406 = arith.constant 0 : i32
        %scatter3A_407 = arith.constant 0 : i32
        %scatter3A_408 = tpu.memref_slice %arg12[%select_n3A_401, %scatter3A_406, %scatter3A_407] : memref<2x16x64xf32, #tpu.memory_space<vmem>> -> memref<1x16x64xf32, #tpu.memory_space<vmem>>
        %scatter3A_409 = tpu.memref_squeeze %scatter3A_408 : memref<1x16x64xf32, #tpu.memory_space<vmem>> -> memref<16x64xf32, #tpu.memory_space<vmem>>
        tpu.vector_store_idx %scatter3A_409[%iota3A, %add3A_403], %mul3A_405 : memref<16x64xf32, #tpu.memory_space<vmem>>[vector<16xi32>, vector<16xi32>], vector<16xf32>,
        %jit3A_410 = arith.constant 2 : i32
        %eq3A_411 = arith.constant 0 : i32
        %eq3A_412 = arith.cmpi eq, %jit3A_410, %eq3A_411 : i32
        %jit3A_413 = arith.constant 1 : i32
        %select_n3A_414 = arith.select %eq3A_412, %jit3A_413, %jit3A_410 : i32
        %rem3A_415 = arith.remsi %scan3A_198, %select_n3A_414 : i32
        %ne3A_416 = arith.constant 0 : i32
        %ne3A_417 = arith.cmpi ne, %rem3A_415, %ne3A_416 : i32
        %lt3A_418 = arith.constant 0 : i32
        %lt3A_419 = arith.cmpi slt, %rem3A_415, %lt3A_418 : i32
        %lt3A_420 = arith.constant 0 : i32
        %lt3A_421 = arith.cmpi slt, %select_n3A_414, %lt3A_420 : i32
        %ne3A_422 = arith.xori %lt3A_419, %lt3A_421 : i1
        %and3A_423 = arith.andi %ne3A_422, %ne3A_417 : i1
        %add3A_424 = arith.addi %rem3A_415, %select_n3A_414 : i32
        %select_n3A_425 = arith.select %and3A_423, %add3A_424, %rem3A_415 : i32
        %add3A_426 = vector.broadcast %mul3A_253 : i32 to vector<16xi32>
        %add3A_427 = arith.addi %add3A_426, %and3A_46 : vector<16xi32>
        %mul3A_428 = vector.broadcast %scan3A : f32 to vector<16xf32>
        %mul3A_429 = arith.mulf %scan3A_289#5, %mul3A_428 : vector<16xf32>
        %scatter3A_430 = arith.constant 0 : i32
        %scatter3A_431 = arith.constant 0 : i32
        %scatter3A_432 = tpu.memref_slice %arg12[%select_n3A_425, %scatter3A_430, %scatter3A_431] : memref<2x16x64xf32, #tpu.memory_space<vmem>> -> memref<1x16x64xf32, #tpu.memory_space<vmem>>
        %scatter3A_433 = tpu.memref_squeeze %scatter3A_432 : memref<1x16x64xf32, #tpu.memory_space<vmem>> -> memref<16x64xf32, #tpu.memory_space<vmem>>
        tpu.vector_store_idx %scatter3A_433[%iota3A, %add3A_427], %mul3A_429 : memref<16x64xf32, #tpu.memory_space<vmem>>[vector<16xi32>, vector<16xi32>], vector<16xf32>,
        %jit3A_434 = arith.constant 2 : i32
        %eq3A_435 = arith.constant 0 : i32
        %eq3A_436 = arith.cmpi eq, %jit3A_434, %eq3A_435 : i32
        %jit3A_437 = arith.constant 1 : i32
        %select_n3A_438 = arith.select %eq3A_436, %jit3A_437, %jit3A_434 : i32
        %rem3A_439 = arith.remsi %scan3A_198, %select_n3A_438 : i32
        %ne3A_440 = arith.constant 0 : i32
        %ne3A_441 = arith.cmpi ne, %rem3A_439, %ne3A_440 : i32
        %lt3A_442 = arith.constant 0 : i32
        %lt3A_443 = arith.cmpi slt, %rem3A_439, %lt3A_442 : i32
        %lt3A_444 = arith.constant 0 : i32
        %lt3A_445 = arith.cmpi slt, %select_n3A_438, %lt3A_444 : i32
        %ne3A_446 = arith.xori %lt3A_443, %lt3A_445 : i1
        %and3A_447 = arith.andi %ne3A_446, %ne3A_441 : i1
        %add3A_448 = arith.addi %rem3A_439, %select_n3A_438 : i32
        %select_n3A_449 = arith.select %and3A_447, %add3A_448, %rem3A_439 : i32
        %add3A_450 = vector.broadcast %mul3A_253 : i32 to vector<16xi32>
        %add3A_451 = arith.addi %add3A_450, %and3A_52 : vector<16xi32>
        %mul3A_452 = vector.broadcast %scan3A : f32 to vector<16xf32>
        %mul3A_453 = arith.mulf %scan3A_289#6, %mul3A_452 : vector<16xf32>
        %scatter3A_454 = arith.constant 0 : i32
        %scatter3A_455 = arith.constant 0 : i32
        %scatter3A_456 = tpu.memref_slice %arg12[%select_n3A_449, %scatter3A_454, %scatter3A_455] : memref<2x16x64xf32, #tpu.memory_space<vmem>> -> memref<1x16x64xf32, #tpu.memory_space<vmem>>
        %scatter3A_457 = tpu.memref_squeeze %scatter3A_456 : memref<1x16x64xf32, #tpu.memory_space<vmem>> -> memref<16x64xf32, #tpu.memory_space<vmem>>
        tpu.vector_store_idx %scatter3A_457[%iota3A, %add3A_451], %mul3A_453 : memref<16x64xf32, #tpu.memory_space<vmem>>[vector<16xi32>, vector<16xi32>], vector<16xf32>,
        %jit3A_458 = arith.constant 2 : i32
        %eq3A_459 = arith.constant 0 : i32
        %eq3A_460 = arith.cmpi eq, %jit3A_458, %eq3A_459 : i32
        %jit3A_461 = arith.constant 1 : i32
        %select_n3A_462 = arith.select %eq3A_460, %jit3A_461, %jit3A_458 : i32
        %rem3A_463 = arith.remsi %scan3A_198, %select_n3A_462 : i32
        %ne3A_464 = arith.constant 0 : i32
        %ne3A_465 = arith.cmpi ne, %rem3A_463, %ne3A_464 : i32
        %lt3A_466 = arith.constant 0 : i32
        %lt3A_467 = arith.cmpi slt, %rem3A_463, %lt3A_466 : i32
        %lt3A_468 = arith.constant 0 : i32
        %lt3A_469 = arith.cmpi slt, %select_n3A_462, %lt3A_468 : i32
        %ne3A_470 = arith.xori %lt3A_467, %lt3A_469 : i1
        %and3A_471 = arith.andi %ne3A_470, %ne3A_465 : i1
        %add3A_472 = arith.addi %rem3A_463, %select_n3A_462 : i32
        %select_n3A_473 = arith.select %and3A_471, %add3A_472, %rem3A_463 : i32
        %add3A_474 = vector.broadcast %mul3A_253 : i32 to vector<16xi32>
        %add3A_475 = arith.addi %add3A_474, %and3A_58 : vector<16xi32>
        %mul3A_476 = vector.broadcast %scan3A : f32 to vector<16xf32>
        %mul3A_477 = arith.mulf %scan3A_289#7, %mul3A_476 : vector<16xf32>
        %scatter3A_478 = arith.constant 0 : i32
        %scatter3A_479 = arith.constant 0 : i32
        %scatter3A_480 = tpu.memref_slice %arg12[%select_n3A_473, %scatter3A_478, %scatter3A_479] : memref<2x16x64xf32, #tpu.memory_space<vmem>> -> memref<1x16x64xf32, #tpu.memory_space<vmem>>
        %scatter3A_481 = tpu.memref_squeeze %scatter3A_480 : memref<1x16x64xf32, #tpu.memory_space<vmem>> -> memref<16x64xf32, #tpu.memory_space<vmem>>
        tpu.vector_store_idx %scatter3A_481[%iota3A, %add3A_475], %mul3A_477 : memref<16x64xf32, #tpu.memory_space<vmem>>[vector<16xi32>, vector<16xi32>], vector<16xf32>,
        %jit3A_482 = arith.constant 2 : i32
        %eq3A_483 = arith.constant 0 : i32
        %eq3A_484 = arith.cmpi eq, %jit3A_482, %eq3A_483 : i32
        %jit3A_485 = arith.constant 1 : i32
        %select_n3A_486 = arith.select %eq3A_484, %jit3A_485, %jit3A_482 : i32
        %rem3A_487 = arith.remsi %scan3A_198, %select_n3A_486 : i32
        %ne3A_488 = arith.constant 0 : i32
        %ne3A_489 = arith.cmpi ne, %rem3A_487, %ne3A_488 : i32
        %lt3A_490 = arith.constant 0 : i32
        %lt3A_491 = arith.cmpi slt, %rem3A_487, %lt3A_490 : i32
        %lt3A_492 = arith.constant 0 : i32
        %lt3A_493 = arith.cmpi slt, %select_n3A_486, %lt3A_492 : i32
        %ne3A_494 = arith.xori %lt3A_491, %lt3A_493 : i1
        %and3A_495 = arith.andi %ne3A_494, %ne3A_489 : i1
        %add3A_496 = arith.addi %rem3A_487, %select_n3A_486 : i32
        %select_n3A_497 = arith.select %and3A_495, %add3A_496, %rem3A_487 : i32
        %add3A_498 = vector.broadcast %mul3A_253 : i32 to vector<16xi32>
        %add3A_499 = arith.addi %add3A_498, %and3A_64 : vector<16xi32>
        %mul3A_500 = vector.broadcast %scan3A : f32 to vector<16xf32>
        %mul3A_501 = arith.mulf %scan3A_289#8, %mul3A_500 : vector<16xf32>
        %scatter3A_502 = arith.constant 0 : i32
        %scatter3A_503 = arith.constant 0 : i32
        %scatter3A_504 = tpu.memref_slice %arg12[%select_n3A_497, %scatter3A_502, %scatter3A_503] : memref<2x16x64xf32, #tpu.memory_space<vmem>> -> memref<1x16x64xf32, #tpu.memory_space<vmem>>
        %scatter3A_505 = tpu.memref_squeeze %scatter3A_504 : memref<1x16x64xf32, #tpu.memory_space<vmem>> -> memref<16x64xf32, #tpu.memory_space<vmem>>
        tpu.vector_store_idx %scatter3A_505[%iota3A, %add3A_499], %mul3A_501 : memref<16x64xf32, #tpu.memory_space<vmem>>[vector<16xi32>, vector<16xi32>], vector<16xf32>,
        %jit3A_506 = arith.constant 2 : i32
        %eq3A_507 = arith.constant 0 : i32
        %eq3A_508 = arith.cmpi eq, %jit3A_506, %eq3A_507 : i32
        %jit3A_509 = arith.constant 1 : i32
        %select_n3A_510 = arith.select %eq3A_508, %jit3A_509, %jit3A_506 : i32
        %rem3A_511 = arith.remsi %scan3A_198, %select_n3A_510 : i32
        %ne3A_512 = arith.constant 0 : i32
        %ne3A_513 = arith.cmpi ne, %rem3A_511, %ne3A_512 : i32
        %lt3A_514 = arith.constant 0 : i32
        %lt3A_515 = arith.cmpi slt, %rem3A_511, %lt3A_514 : i32
        %lt3A_516 = arith.constant 0 : i32
        %lt3A_517 = arith.cmpi slt, %select_n3A_510, %lt3A_516 : i32
        %ne3A_518 = arith.xori %lt3A_515, %lt3A_517 : i1
        %and3A_519 = arith.andi %ne3A_518, %ne3A_513 : i1
        %add3A_520 = arith.addi %rem3A_511, %select_n3A_510 : i32
        %select_n3A_521 = arith.select %and3A_519, %add3A_520, %rem3A_511 : i32
        %add3A_522 = vector.broadcast %mul3A_253 : i32 to vector<16xi32>
        %add3A_523 = arith.addi %add3A_522, %and3A_70 : vector<16xi32>
        %mul3A_524 = vector.broadcast %scan3A : f32 to vector<16xf32>
        %mul3A_525 = arith.mulf %scan3A_289#9, %mul3A_524 : vector<16xf32>
        %scatter3A_526 = arith.constant 0 : i32
        %scatter3A_527 = arith.constant 0 : i32
        %scatter3A_528 = tpu.memref_slice %arg12[%select_n3A_521, %scatter3A_526, %scatter3A_527] : memref<2x16x64xf32, #tpu.memory_space<vmem>> -> memref<1x16x64xf32, #tpu.memory_space<vmem>>
        %scatter3A_529 = tpu.memref_squeeze %scatter3A_528 : memref<1x16x64xf32, #tpu.memory_space<vmem>> -> memref<16x64xf32, #tpu.memory_space<vmem>>
        tpu.vector_store_idx %scatter3A_529[%iota3A, %add3A_523], %mul3A_525 : memref<16x64xf32, #tpu.memory_space<vmem>>[vector<16xi32>, vector<16xi32>], vector<16xf32>,
        %jit3A_530 = arith.constant 2 : i32
        %eq3A_531 = arith.constant 0 : i32
        %eq3A_532 = arith.cmpi eq, %jit3A_530, %eq3A_531 : i32
        %jit3A_533 = arith.constant 1 : i32
        %select_n3A_534 = arith.select %eq3A_532, %jit3A_533, %jit3A_530 : i32
        %rem3A_535 = arith.remsi %scan3A_198, %select_n3A_534 : i32
        %ne3A_536 = arith.constant 0 : i32
        %ne3A_537 = arith.cmpi ne, %rem3A_535, %ne3A_536 : i32
        %lt3A_538 = arith.constant 0 : i32
        %lt3A_539 = arith.cmpi slt, %rem3A_535, %lt3A_538 : i32
        %lt3A_540 = arith.constant 0 : i32
        %lt3A_541 = arith.cmpi slt, %select_n3A_534, %lt3A_540 : i32
        %ne3A_542 = arith.xori %lt3A_539, %lt3A_541 : i1
        %and3A_543 = arith.andi %ne3A_542, %ne3A_537 : i1
        %add3A_544 = arith.addi %rem3A_535, %select_n3A_534 : i32
        %select_n3A_545 = arith.select %and3A_543, %add3A_544, %rem3A_535 : i32
        %add3A_546 = vector.broadcast %mul3A_253 : i32 to vector<16xi32>
        %add3A_547 = arith.addi %add3A_546, %and3A_76 : vector<16xi32>
        %mul3A_548 = vector.broadcast %scan3A : f32 to vector<16xf32>
        %mul3A_549 = arith.mulf %scan3A_289#10, %mul3A_548 : vector<16xf32>
        %scatter3A_550 = arith.constant 0 : i32
        %scatter3A_551 = arith.constant 0 : i32
        %scatter3A_552 = tpu.memref_slice %arg12[%select_n3A_545, %scatter3A_550, %scatter3A_551] : memref<2x16x64xf32, #tpu.memory_space<vmem>> -> memref<1x16x64xf32, #tpu.memory_space<vmem>>
        %scatter3A_553 = tpu.memref_squeeze %scatter3A_552 : memref<1x16x64xf32, #tpu.memory_space<vmem>> -> memref<16x64xf32, #tpu.memory_space<vmem>>
        tpu.vector_store_idx %scatter3A_553[%iota3A, %add3A_547], %mul3A_549 : memref<16x64xf32, #tpu.memory_space<vmem>>[vector<16xi32>, vector<16xi32>], vector<16xf32>,
        %jit3A_554 = arith.constant 2 : i32
        %eq3A_555 = arith.constant 0 : i32
        %eq3A_556 = arith.cmpi eq, %jit3A_554, %eq3A_555 : i32
        %jit3A_557 = arith.constant 1 : i32
        %select_n3A_558 = arith.select %eq3A_556, %jit3A_557, %jit3A_554 : i32
        %rem3A_559 = arith.remsi %scan3A_198, %select_n3A_558 : i32
        %ne3A_560 = arith.constant 0 : i32
        %ne3A_561 = arith.cmpi ne, %rem3A_559, %ne3A_560 : i32
        %lt3A_562 = arith.constant 0 : i32
        %lt3A_563 = arith.cmpi slt, %rem3A_559, %lt3A_562 : i32
        %lt3A_564 = arith.constant 0 : i32
        %lt3A_565 = arith.cmpi slt, %select_n3A_558, %lt3A_564 : i32
        %ne3A_566 = arith.xori %lt3A_563, %lt3A_565 : i1
        %and3A_567 = arith.andi %ne3A_566, %ne3A_561 : i1
        %add3A_568 = arith.addi %rem3A_559, %select_n3A_558 : i32
        %select_n3A_569 = arith.select %and3A_567, %add3A_568, %rem3A_559 : i32
        %add3A_570 = vector.broadcast %mul3A_253 : i32 to vector<16xi32>
        %add3A_571 = arith.addi %add3A_570, %and3A_82 : vector<16xi32>
        %mul3A_572 = vector.broadcast %scan3A : f32 to vector<16xf32>
        %mul3A_573 = arith.mulf %scan3A_289#11, %mul3A_572 : vector<16xf32>
        %scatter3A_574 = arith.constant 0 : i32
        %scatter3A_575 = arith.constant 0 : i32
        %scatter3A_576 = tpu.memref_slice %arg12[%select_n3A_569, %scatter3A_574, %scatter3A_575] : memref<2x16x64xf32, #tpu.memory_space<vmem>> -> memref<1x16x64xf32, #tpu.memory_space<vmem>>
        %scatter3A_577 = tpu.memref_squeeze %scatter3A_576 : memref<1x16x64xf32, #tpu.memory_space<vmem>> -> memref<16x64xf32, #tpu.memory_space<vmem>>
        tpu.vector_store_idx %scatter3A_577[%iota3A, %add3A_571], %mul3A_573 : memref<16x64xf32, #tpu.memory_space<vmem>>[vector<16xi32>, vector<16xi32>], vector<16xf32>,
        %jit3A_578 = arith.constant 2 : i32
        %eq3A_579 = arith.constant 0 : i32
        %eq3A_580 = arith.cmpi eq, %jit3A_578, %eq3A_579 : i32
        %jit3A_581 = arith.constant 1 : i32
        %select_n3A_582 = arith.select %eq3A_580, %jit3A_581, %jit3A_578 : i32
        %rem3A_583 = arith.remsi %scan3A_198, %select_n3A_582 : i32
        %ne3A_584 = arith.constant 0 : i32
        %ne3A_585 = arith.cmpi ne, %rem3A_583, %ne3A_584 : i32
        %lt3A_586 = arith.constant 0 : i32
        %lt3A_587 = arith.cmpi slt, %rem3A_583, %lt3A_586 : i32
        %lt3A_588 = arith.constant 0 : i32
        %lt3A_589 = arith.cmpi slt, %select_n3A_582, %lt3A_588 : i32
        %ne3A_590 = arith.xori %lt3A_587, %lt3A_589 : i1
        %and3A_591 = arith.andi %ne3A_590, %ne3A_585 : i1
        %add3A_592 = arith.addi %rem3A_583, %select_n3A_582 : i32
        %select_n3A_593 = arith.select %and3A_591, %add3A_592, %rem3A_583 : i32
        %add3A_594 = vector.broadcast %mul3A_253 : i32 to vector<16xi32>
        %add3A_595 = arith.addi %add3A_594, %and3A_88 : vector<16xi32>
        %mul3A_596 = vector.broadcast %scan3A : f32 to vector<16xf32>
        %mul3A_597 = arith.mulf %scan3A_289#12, %mul3A_596 : vector<16xf32>
        %scatter3A_598 = arith.constant 0 : i32
        %scatter3A_599 = arith.constant 0 : i32
        %scatter3A_600 = tpu.memref_slice %arg12[%select_n3A_593, %scatter3A_598, %scatter3A_599] : memref<2x16x64xf32, #tpu.memory_space<vmem>> -> memref<1x16x64xf32, #tpu.memory_space<vmem>>
        %scatter3A_601 = tpu.memref_squeeze %scatter3A_600 : memref<1x16x64xf32, #tpu.memory_space<vmem>> -> memref<16x64xf32, #tpu.memory_space<vmem>>
        tpu.vector_store_idx %scatter3A_601[%iota3A, %add3A_595], %mul3A_597 : memref<16x64xf32, #tpu.memory_space<vmem>>[vector<16xi32>, vector<16xi32>], vector<16xf32>,
        %jit3A_602 = arith.constant 2 : i32
        %eq3A_603 = arith.constant 0 : i32
        %eq3A_604 = arith.cmpi eq, %jit3A_602, %eq3A_603 : i32
        %jit3A_605 = arith.constant 1 : i32
        %select_n3A_606 = arith.select %eq3A_604, %jit3A_605, %jit3A_602 : i32
        %rem3A_607 = arith.remsi %scan3A_198, %select_n3A_606 : i32
        %ne3A_608 = arith.constant 0 : i32
        %ne3A_609 = arith.cmpi ne, %rem3A_607, %ne3A_608 : i32
        %lt3A_610 = arith.constant 0 : i32
        %lt3A_611 = arith.cmpi slt, %rem3A_607, %lt3A_610 : i32
        %lt3A_612 = arith.constant 0 : i32
        %lt3A_613 = arith.cmpi slt, %select_n3A_606, %lt3A_612 : i32
        %ne3A_614 = arith.xori %lt3A_611, %lt3A_613 : i1
        %and3A_615 = arith.andi %ne3A_614, %ne3A_609 : i1
        %add3A_616 = arith.addi %rem3A_607, %select_n3A_606 : i32
        %select_n3A_617 = arith.select %and3A_615, %add3A_616, %rem3A_607 : i32
        %add3A_618 = vector.broadcast %mul3A_253 : i32 to vector<16xi32>
        %add3A_619 = arith.addi %add3A_618, %and3A_94 : vector<16xi32>
        %mul3A_620 = vector.broadcast %scan3A : f32 to vector<16xf32>
        %mul3A_621 = arith.mulf %scan3A_289#13, %mul3A_620 : vector<16xf32>
        %scatter3A_622 = arith.constant 0 : i32
        %scatter3A_623 = arith.constant 0 : i32
        %scatter3A_624 = tpu.memref_slice %arg12[%select_n3A_617, %scatter3A_622, %scatter3A_623] : memref<2x16x64xf32, #tpu.memory_space<vmem>> -> memref<1x16x64xf32, #tpu.memory_space<vmem>>
        %scatter3A_625 = tpu.memref_squeeze %scatter3A_624 : memref<1x16x64xf32, #tpu.memory_space<vmem>> -> memref<16x64xf32, #tpu.memory_space<vmem>>
        tpu.vector_store_idx %scatter3A_625[%iota3A, %add3A_619], %mul3A_621 : memref<16x64xf32, #tpu.memory_space<vmem>>[vector<16xi32>, vector<16xi32>], vector<16xf32>,
        %jit3A_626 = arith.constant 2 : i32
        %eq3A_627 = arith.constant 0 : i32
        %eq3A_628 = arith.cmpi eq, %jit3A_626, %eq3A_627 : i32
        %jit3A_629 = arith.constant 1 : i32
        %select_n3A_630 = arith.select %eq3A_628, %jit3A_629, %jit3A_626 : i32
        %rem3A_631 = arith.remsi %scan3A_198, %select_n3A_630 : i32
        %ne3A_632 = arith.constant 0 : i32
        %ne3A_633 = arith.cmpi ne, %rem3A_631, %ne3A_632 : i32
        %lt3A_634 = arith.constant 0 : i32
        %lt3A_635 = arith.cmpi slt, %rem3A_631, %lt3A_634 : i32
        %lt3A_636 = arith.constant 0 : i32
        %lt3A_637 = arith.cmpi slt, %select_n3A_630, %lt3A_636 : i32
        %ne3A_638 = arith.xori %lt3A_635, %lt3A_637 : i1
        %and3A_639 = arith.andi %ne3A_638, %ne3A_633 : i1
        %add3A_640 = arith.addi %rem3A_631, %select_n3A_630 : i32
        %select_n3A_641 = arith.select %and3A_639, %add3A_640, %rem3A_631 : i32
        %add3A_642 = vector.broadcast %mul3A_253 : i32 to vector<16xi32>
        %add3A_643 = arith.addi %add3A_642, %and3A_100 : vector<16xi32>
        %mul3A_644 = vector.broadcast %scan3A : f32 to vector<16xf32>
        %mul3A_645 = arith.mulf %scan3A_289#14, %mul3A_644 : vector<16xf32>
        %scatter3A_646 = arith.constant 0 : i32
        %scatter3A_647 = arith.constant 0 : i32
        %scatter3A_648 = tpu.memref_slice %arg12[%select_n3A_641, %scatter3A_646, %scatter3A_647] : memref<2x16x64xf32, #tpu.memory_space<vmem>> -> memref<1x16x64xf32, #tpu.memory_space<vmem>>
        %scatter3A_649 = tpu.memref_squeeze %scatter3A_648 : memref<1x16x64xf32, #tpu.memory_space<vmem>> -> memref<16x64xf32, #tpu.memory_space<vmem>>
        tpu.vector_store_idx %scatter3A_649[%iota3A, %add3A_643], %mul3A_645 : memref<16x64xf32, #tpu.memory_space<vmem>>[vector<16xi32>, vector<16xi32>], vector<16xf32>,
        %jit3A_650 = arith.constant 2 : i32
        %eq3A_651 = arith.constant 0 : i32
        %eq3A_652 = arith.cmpi eq, %jit3A_650, %eq3A_651 : i32
        %jit3A_653 = arith.constant 1 : i32
        %select_n3A_654 = arith.select %eq3A_652, %jit3A_653, %jit3A_650 : i32
        %rem3A_655 = arith.remsi %scan3A_198, %select_n3A_654 : i32
        %ne3A_656 = arith.constant 0 : i32
        %ne3A_657 = arith.cmpi ne, %rem3A_655, %ne3A_656 : i32
        %lt3A_658 = arith.constant 0 : i32
        %lt3A_659 = arith.cmpi slt, %rem3A_655, %lt3A_658 : i32
        %lt3A_660 = arith.constant 0 : i32
        %lt3A_661 = arith.cmpi slt, %select_n3A_654, %lt3A_660 : i32
        %ne3A_662 = arith.xori %lt3A_659, %lt3A_661 : i1
        %and3A_663 = arith.andi %ne3A_662, %ne3A_657 : i1
        %add3A_664 = arith.addi %rem3A_655, %select_n3A_654 : i32
        %select_n3A_665 = arith.select %and3A_663, %add3A_664, %rem3A_655 : i32
        %add3A_666 = vector.broadcast %mul3A_253 : i32 to vector<16xi32>
        %add3A_667 = arith.addi %add3A_666, %and3A_106 : vector<16xi32>
        %mul3A_668 = vector.broadcast %scan3A : f32 to vector<16xf32>
        %mul3A_669 = arith.mulf %scan3A_289#15, %mul3A_668 : vector<16xf32>
        %scatter3A_670 = arith.constant 0 : i32
        %scatter3A_671 = arith.constant 0 : i32
        %scatter3A_672 = tpu.memref_slice %arg12[%select_n3A_665, %scatter3A_670, %scatter3A_671] : memref<2x16x64xf32, #tpu.memory_space<vmem>> -> memref<1x16x64xf32, #tpu.memory_space<vmem>>
        %scatter3A_673 = tpu.memref_squeeze %scatter3A_672 : memref<1x16x64xf32, #tpu.memory_space<vmem>> -> memref<16x64xf32, #tpu.memory_space<vmem>>
        tpu.vector_store_idx %scatter3A_673[%iota3A, %add3A_667], %mul3A_669 : memref<16x64xf32, #tpu.memory_space<vmem>>[vector<16xi32>, vector<16xi32>], vector<16xf32>,
        %scan3A_674 = arith.constant 0 : i32
        scf.yield %scan3A_674 : i32
      }
      %scan3A_224 = arith.constant 4 : i32
      %jit3A = arith.constant 2 : i32
      %eq3A_225 = arith.constant 0 : i32
      %eq3A_226 = arith.cmpi eq, %jit3A, %eq3A_225 : i32
      %jit3A_227 = arith.constant 1 : i32
      %select_n3A = arith.select %eq3A_226, %jit3A_227, %jit3A : i32
      %rem3A = arith.remsi %scan3A_198, %select_n3A : i32
      %ne3A = arith.constant 0 : i32
      %ne3A_228 = arith.cmpi ne, %rem3A, %ne3A : i32
      %lt3A = arith.constant 0 : i32
      %lt3A_229 = arith.cmpi slt, %rem3A, %lt3A : i32
      %lt3A_230 = arith.constant 0 : i32
      %lt3A_231 = arith.cmpi slt, %select_n3A, %lt3A_230 : i32
      %ne3A_232 = arith.xori %lt3A_229, %lt3A_231 : i1
      %and3A_233 = arith.andi %ne3A_232, %ne3A_228 : i1
      %add3A_234 = arith.addi %rem3A, %select_n3A : i32
      %select_n3A_235 = arith.select %and3A_233, %add3A_234, %rem3A : i32
      %add3A_236 = arith.addi %mul3A_2, %mul3A_213 : i32
      %dma_start3A_237 = arith.constant 0 : i32
      %dma_start3A_238 = arith.constant 0 : i32
      %dma_start3A_239 = tpu.memref_slice %arg12[%select_n3A_235, %dma_start3A_237, %dma_start3A_238] : memref<2x16x64xf32, #tpu.memory_space<vmem>> -> memref<1x16x64xf32, #tpu.memory_space<vmem>>
      %dma_start3A_240 = tpu.memref_squeeze %dma_start3A_239 : memref<1x16x64xf32, #tpu.memory_space<vmem>> -> memref<16x64xf32, #tpu.memory_space<vmem>>
      %dma_start3A_241 = arith.constant 0 : i32
      %dma_start3A_242 = tpu.memref_slice %arg7[%add3A_236, %dma_start3A_241] : memref<16384x64xf32, #tpu.memory_space<hbm>> -> memref<16x64xf32, #tpu.memory_space<hbm>>
      %dma_start3A_243 = arith.constant 0 : i32
      %dma_start3A_244 = tpu.memref_slice %arg7[%add3A_236, %dma_start3A_243] : memref<16384x64xf32, #tpu.memory_space<hbm>> -> memref<16x64xf32, #tpu.memory_space<hbm>>
      %dma_start3A_245 = arith.constant 0 : i32
      %dma_start3A_246 = arith.constant 0 : i32
      %dma_start3A_247 = tpu.memref_slice %arg12[%select_n3A_235, %dma_start3A_245, %dma_start3A_246] : memref<2x16x64xf32, #tpu.memory_space<vmem>> -> memref<1x16x64xf32, #tpu.memory_space<vmem>>
      %dma_start3A_248 = tpu.memref_squeeze %dma_start3A_247 : memref<1x16x64xf32, #tpu.memory_space<vmem>> -> memref<16x64xf32, #tpu.memory_space<vmem>>
      tpu.enqueue_dma source(%dma_start3A_248 : memref<16x64xf32, #tpu.memory_space<vmem>>) target(%dma_start3A_244 : memref<16x64xf32, #tpu.memory_space<hbm>>) target_semaphore(%arg15 : memref<!tpu.dma_semaphore, #tpu.memory_space<semaphore_mem>>)
      %scan3A_249 = arith.constant 0 : i32
      scf.yield %scan3A_249 : i32
    }
    %scan3A_113 = arith.constant 32 : i32
    %add3A_114 = arith.constant 480 : i32
    %add3A_115 = arith.addi %mul3A_2, %add3A_114 : i32
    %dma_wait3A = arith.constant 0 : i32
    %dma_wait3A_116 = arith.constant 0 : i32
    %dma_wait3A_117 = arith.constant 0 : i32
    %dma_wait3A_118 = tpu.memref_slice %arg12[%dma_wait3A, %dma_wait3A_116, %dma_wait3A_117] : memref<2x16x64xf32, #tpu.memory_space<vmem>> -> memref<1x16x64xf32, #tpu.memory_space<vmem>>
    %dma_wait3A_119 = tpu.memref_squeeze %dma_wait3A_118 : memref<1x16x64xf32, #tpu.memory_space<vmem>> -> memref<16x64xf32, #tpu.memory_space<vmem>>
    %dma_wait3A_120 = arith.constant 0 : i32
    %dma_wait3A_121 = tpu.memref_slice %arg7[%add3A_115, %dma_wait3A_120] : memref<16384x64xf32, #tpu.memory_space<hbm>> -> memref<16x64xf32, #tpu.memory_space<hbm>>
    %dma_wait3A_122 = arith.constant 0 : i32
    %dma_wait3A_123 = tpu.memref_slice %arg7[%add3A_115, %dma_wait3A_122] : memref<16384x64xf32, #tpu.memory_space<hbm>> -> memref<16x64xf32, #tpu.memory_space<hbm>>
    %dma_wait3A_124 = arith.constant 0 : i32
    %dma_wait3A_125 = arith.constant 0 : i32
    %dma_wait3A_126 = tpu.memref_slice %arg12[%dma_wait3A, %dma_wait3A_124, %dma_wait3A_125] : memref<2x16x64xf32, #tpu.memory_space<vmem>> -> memref<1x16x64xf32, #tpu.memory_space<vmem>>
    %dma_wait3A_127 = tpu.memref_squeeze %dma_wait3A_126 : memref<1x16x64xf32, #tpu.memory_space<vmem>> -> memref<16x64xf32, #tpu.memory_space<vmem>>
    tpu.wait_dma2 semaphore(%arg15 : memref<!tpu.dma_semaphore, #tpu.memory_space<semaphore_mem>>) src(%dma_wait3A_127 : memref<16x64xf32, #tpu.memory_space<vmem>>) dst(%dma_wait3A_123 : memref<16x64xf32, #tpu.memory_space<hbm>>)
    %add3A_128 = arith.constant 496 : i32
    %add3A_129 = arith.addi %mul3A_2, %add3A_128 : i32
    %dma_wait3A_130 = arith.constant 1 : i32
    %dma_wait3A_131 = arith.constant 0 : i32
    %dma_wait3A_132 = arith.constant 0 : i32
    %dma_wait3A_133 = tpu.memref_slice %arg12[%dma_wait3A_130, %dma_wait3A_131, %dma_wait3A_132] : memref<2x16x64xf32, #tpu.memory_space<vmem>> -> memref<1x16x64xf32, #tpu.memory_space<vmem>>
    %dma_wait3A_134 = tpu.memref_squeeze %dma_wait3A_133 : memref<1x16x64xf32, #tpu.memory_space<vmem>> -> memref<16x64xf32, #tpu.memory_space<vmem>>
    %dma_wait3A_135 = arith.constant 0 : i32
    %dma_wait3A_136 = tpu.memref_slice %arg7[%add3A_129, %dma_wait3A_135] : memref<16384x64xf32, #tpu.memory_space<hbm>> -> memref<16x64xf32, #tpu.memory_space<hbm>>
    %dma_wait3A_137 = arith.constant 0 : i32
    %dma_wait3A_138 = tpu.memref_slice %arg7[%add3A_129, %dma_wait3A_137] : memref<16384x64xf32, #tpu.memory_space<hbm>> -> memref<16x64xf32, #tpu.memory_space<hbm>>
    %dma_wait3A_139 = arith.constant 0 : i32
    %dma_wait3A_140 = arith.constant 0 : i32
    %dma_wait3A_141 = tpu.memref_slice %arg12[%dma_wait3A_130, %dma_wait3A_139, %dma_wait3A_140] : memref<2x16x64xf32, #tpu.memory_space<vmem>> -> memref<1x16x64xf32, #tpu.memory_space<vmem>>
    %dma_wait3A_142 = tpu.memref_squeeze %dma_wait3A_141 : memref<1x16x64xf32, #tpu.memory_space<vmem>> -> memref<16x64xf32, #tpu.memory_space<vmem>>
    tpu.wait_dma2 semaphore(%arg15 : memref<!tpu.dma_semaphore, #tpu.memory_space<semaphore_mem>>) src(%dma_wait3A_142 : memref<16x64xf32, #tpu.memory_space<vmem>>) dst(%dma_wait3A_138 : memref<16x64xf32, #tpu.memory_space<hbm>>)
    %dma_wait3A_143 = arith.constant 1 : i32
    %dma_wait3A_144 = arith.constant 0 : i32
    %dma_wait3A_145 = arith.constant 0 : i32
    %dma_wait3A_146 = tpu.memref_slice %arg11[%dma_wait3A_143, %dma_wait3A_144, %dma_wait3A_145] : memref<2x128x128xf32, #tpu.memory_space<vmem>> -> memref<1x128x128xf32, #tpu.memory_space<vmem>>
    %dma_wait3A_147 = tpu.memref_squeeze %dma_wait3A_146 : memref<1x128x128xf32, #tpu.memory_space<vmem>> -> memref<128x128xf32, #tpu.memory_space<vmem>>
    %dma_wait3A_148 = arith.constant 384 : i32
    %dma_wait3A_149 = tpu.memref_slice %arg8[%dma_wait3A_148] : memref<512xi32, #tpu.memory_space<vmem>> -> memref<128xi32, #tpu.memory_space<vmem>>
    %dma_wait3A_150 = arith.constant 0 : i32
    %dma_wait3A_151 = arith.constant 0 : i32
    %dma_wait3A_152 = tpu.memref_slice %arg3[%dma_wait3A_150, %dma_wait3A_151] : memref<1000001x128xf32, #tpu.memory_space<hbm>> -> memref<1000001x128xf32, #tpu.memory_space<hbm>>
    tpu.wait_indirect_dma semaphore(%arg13 : memref<!tpu.dma_semaphore, #tpu.memory_space<semaphore_mem>>) src(%dma_wait3A_152 : memref<1000001x128xf32, #tpu.memory_space<hbm>>) dst(%dma_wait3A_147 : memref<128x128xf32, #tpu.memory_space<vmem>>)
    %add3A_153 = arith.constant 384 : i32
    %add3A_154 = arith.addi %mul3A_2, %add3A_153 : i32
    %dma_start3A_155 = arith.constant 1 : i32
    %dma_start3A_156 = arith.constant 0 : i32
    %dma_start3A_157 = arith.constant 0 : i32
    %dma_start3A_158 = tpu.memref_slice %arg11[%dma_start3A_155, %dma_start3A_156, %dma_start3A_157] : memref<2x128x128xf32, #tpu.memory_space<vmem>> -> memref<1x128x128xf32, #tpu.memory_space<vmem>>
    %dma_start3A_159 = tpu.memref_squeeze %dma_start3A_158 : memref<1x128x128xf32, #tpu.memory_space<vmem>> -> memref<128x128xf32, #tpu.memory_space<vmem>>
    %dma_start3A_160 = arith.constant 0 : i32
    %dma_start3A_161 = tpu.memref_slice %arg6[%add3A_154, %dma_start3A_160] : memref<16384x128xf32, #tpu.memory_space<hbm>> -> memref<128x128xf32, #tpu.memory_space<hbm>>
    %dma_start3A_162 = arith.constant 0 : i32
    %dma_start3A_163 = tpu.memref_slice %arg6[%add3A_154, %dma_start3A_162] : memref<16384x128xf32, #tpu.memory_space<hbm>> -> memref<128x128xf32, #tpu.memory_space<hbm>>
    %dma_start3A_164 = arith.constant 0 : i32
    %dma_start3A_165 = arith.constant 0 : i32
    %dma_start3A_166 = tpu.memref_slice %arg11[%dma_start3A_155, %dma_start3A_164, %dma_start3A_165] : memref<2x128x128xf32, #tpu.memory_space<vmem>> -> memref<1x128x128xf32, #tpu.memory_space<vmem>>
    %dma_start3A_167 = tpu.memref_squeeze %dma_start3A_166 : memref<1x128x128xf32, #tpu.memory_space<vmem>> -> memref<128x128xf32, #tpu.memory_space<vmem>>
    tpu.enqueue_dma source(%dma_start3A_167 : memref<128x128xf32, #tpu.memory_space<vmem>>) target(%dma_start3A_163 : memref<128x128xf32, #tpu.memory_space<hbm>>) target_semaphore(%arg14 : memref<!tpu.dma_semaphore, #tpu.memory_space<semaphore_mem>>)
    %add3A_168 = arith.constant 256 : i32
    %add3A_169 = arith.addi %mul3A_2, %add3A_168 : i32
    %dma_wait3A_170 = arith.constant 0 : i32
    %dma_wait3A_171 = arith.constant 0 : i32
    %dma_wait3A_172 = arith.constant 0 : i32
    %dma_wait3A_173 = tpu.memref_slice %arg11[%dma_wait3A_170, %dma_wait3A_171, %dma_wait3A_172] : memref<2x128x128xf32, #tpu.memory_space<vmem>> -> memref<1x128x128xf32, #tpu.memory_space<vmem>>
    %dma_wait3A_174 = tpu.memref_squeeze %dma_wait3A_173 : memref<1x128x128xf32, #tpu.memory_space<vmem>> -> memref<128x128xf32, #tpu.memory_space<vmem>>
    %dma_wait3A_175 = arith.constant 0 : i32
    %dma_wait3A_176 = tpu.memref_slice %arg6[%add3A_169, %dma_wait3A_175] : memref<16384x128xf32, #tpu.memory_space<hbm>> -> memref<128x128xf32, #tpu.memory_space<hbm>>
    %dma_wait3A_177 = arith.constant 0 : i32
    %dma_wait3A_178 = tpu.memref_slice %arg6[%add3A_169, %dma_wait3A_177] : memref<16384x128xf32, #tpu.memory_space<hbm>> -> memref<128x128xf32, #tpu.memory_space<hbm>>
    %dma_wait3A_179 = arith.constant 0 : i32
    %dma_wait3A_180 = arith.constant 0 : i32
    %dma_wait3A_181 = tpu.memref_slice %arg11[%dma_wait3A_170, %dma_wait3A_179, %dma_wait3A_180] : memref<2x128x128xf32, #tpu.memory_space<vmem>> -> memref<1x128x128xf32, #tpu.memory_space<vmem>>
    %dma_wait3A_182 = tpu.memref_squeeze %dma_wait3A_181 : memref<1x128x128xf32, #tpu.memory_space<vmem>> -> memref<128x128xf32, #tpu.memory_space<vmem>>
    tpu.wait_dma2 semaphore(%arg14 : memref<!tpu.dma_semaphore, #tpu.memory_space<semaphore_mem>>) src(%dma_wait3A_182 : memref<128x128xf32, #tpu.memory_space<vmem>>) dst(%dma_wait3A_178 : memref<128x128xf32, #tpu.memory_space<hbm>>)
    %add3A_183 = arith.constant 384 : i32
    %add3A_184 = arith.addi %mul3A_2, %add3A_183 : i32
    %dma_wait3A_185 = arith.constant 1 : i32
    %dma_wait3A_186 = arith.constant 0 : i32
    %dma_wait3A_187 = arith.constant 0 : i32
    %dma_wait3A_188 = tpu.memref_slice %arg11[%dma_wait3A_185, %dma_wait3A_186, %dma_wait3A_187] : memref<2x128x128xf32, #tpu.memory_space<vmem>> -> memref<1x128x128xf32, #tpu.memory_space<vmem>>
    %dma_wait3A_189 = tpu.memref_squeeze %dma_wait3A_188 : memref<1x128x128xf32, #tpu.memory_space<vmem>> -> memref<128x128xf32, #tpu.memory_space<vmem>>
    %dma_wait3A_190 = arith.constant 0 : i32
    %dma_wait3A_191 = tpu.memref_slice %arg6[%add3A_184, %dma_wait3A_190] : memref<16384x128xf32, #tpu.memory_space<hbm>> -> memref<128x128xf32, #tpu.memory_space<hbm>>
    %dma_wait3A_192 = arith.constant 0 : i32
    %dma_wait3A_193 = tpu.memref_slice %arg6[%add3A_184, %dma_wait3A_192] : memref<16384x128xf32, #tpu.memory_space<hbm>> -> memref<128x128xf32, #tpu.memory_space<hbm>>
    %dma_wait3A_194 = arith.constant 0 : i32
    %dma_wait3A_195 = arith.constant 0 : i32
    %dma_wait3A_196 = tpu.memref_slice %arg11[%dma_wait3A_185, %dma_wait3A_194, %dma_wait3A_195] : memref<2x128x128xf32, #tpu.memory_space<vmem>> -> memref<1x128x128xf32, #tpu.memory_space<vmem>>
    %dma_wait3A_197 = tpu.memref_squeeze %dma_wait3A_196 : memref<1x128x128xf32, #tpu.memory_space<vmem>> -> memref<128x128xf32, #tpu.memory_space<vmem>>
    tpu.wait_dma2 semaphore(%arg14 : memref<!tpu.dma_semaphore, #tpu.memory_space<semaphore_mem>>) src(%dma_wait3A_197 : memref<128x128xf32, #tpu.memory_space<vmem>>) dst(%dma_wait3A_193 : memref<128x128xf32, #tpu.memory_space<hbm>>)
    return
  }
}

module attributes {stable_mosaic.version = 14 : i64} {
  func.func @body(%arg0: i32, %arg1: memref<2048x128xf32, #tpu.memory_space<vmem>>, %arg2: memref<2048x64xf32, #tpu.memory_space<vmem>>, %arg3: memref<128x96xf32, #tpu.memory_space<vmem>>, %arg4: memref<64x96xf32, #tpu.memory_space<vmem>>, %arg5: memref<96x1xf32, #tpu.memory_space<vmem>>, %arg6: memref<96x1000xf32, #tpu.memory_space<vmem>>, %arg7: memref<1000x1xf32, #tpu.memory_space<vmem>>, %arg8: memref<1000x2048xf32, #tpu.memory_space<vmem>>) attributes {dimension_semantics = [#tpu.dimension_semantics<arbitrary>], iteration_bounds = array<i64: 8>, scalar_prefetch = 0 : i64, scratch_operands = 0 : i64, tpu.core_type = #tpu.core_type<tc>, window_params = [{transform_indices = @transform_0, window_bounds = array<i64: 2048, 128>}, {transform_indices = @transform_1, window_bounds = array<i64: 2048, 64>}, {pipeline_mode = #tpu.pipeline_mode<synchronous>, transform_indices = @transform_2, window_bounds = array<i64: 128, 96>}, {pipeline_mode = #tpu.pipeline_mode<synchronous>, transform_indices = @transform_3, window_bounds = array<i64: 64, 96>}, {pipeline_mode = #tpu.pipeline_mode<synchronous>, transform_indices = @transform_4, window_bounds = array<i64: 96, 1>}, {pipeline_mode = #tpu.pipeline_mode<synchronous>, transform_indices = @transform_5, window_bounds = array<i64: 96, 1000>}, {pipeline_mode = #tpu.pipeline_mode<synchronous>, transform_indices = @transform_6, window_bounds = array<i64: 1000, 1>}, {transform_indices = @transform_7, window_bounds = array<i64: 1000, 2048>}]} {
    %get3A = arith.constant 0 : index
    %get3A_0 = arith.constant 0 : index
    %get3A_1 = vector.load %arg3[%get3A, %get3A_0] : memref<128x96xf32, #tpu.memory_space<vmem>>, vector<128x96xf32>
    %get3A_2 = arith.constant 0 : index
    %get3A_3 = arith.constant 0 : index
    %get3A_4 = vector.load %arg1[%get3A_2, %get3A_3] : memref<2048x128xf32, #tpu.memory_space<vmem>>, vector<2048x128xf32>
    %dot_general3A = arith.constant dense<0.000000e+00> : vector<96x2048xf32>
    %dot_general3A_5 = tpu.matmul %get3A_1, %get3A_4, %dot_general3A {dimension_numbers = #tpu.dot_dimension_numbers<[0], [1], [1], [0], [0, 1, 1, 0], [], []>, transpose_lhs_hint = false} : vector<128x96xf32>, vector<2048x128xf32>, vector<96x2048xf32> -> vector<96x2048xf32>
    %get3A_6 = arith.constant 0 : index
    %get3A_7 = arith.constant 0 : index
    %get3A_8 = vector.load %arg4[%get3A_6, %get3A_7] : memref<64x96xf32, #tpu.memory_space<vmem>>, vector<64x96xf32>
    %get3A_9 = arith.constant 0 : index
    %get3A_10 = arith.constant 0 : index
    %get3A_11 = vector.load %arg2[%get3A_9, %get3A_10] : memref<2048x64xf32, #tpu.memory_space<vmem>>, vector<2048x64xf32>
    %dot_general3A_12 = arith.constant dense<0.000000e+00> : vector<96x2048xf32>
    %dot_general3A_13 = tpu.matmul %get3A_8, %get3A_11, %dot_general3A_12 {dimension_numbers = #tpu.dot_dimension_numbers<[0], [1], [1], [0], [0, 1, 1, 0], [], []>, transpose_lhs_hint = false} : vector<64x96xf32>, vector<2048x64xf32>, vector<96x2048xf32> -> vector<96x2048xf32>
    %add3A = arith.addf %dot_general3A_5, %dot_general3A_13 : vector<96x2048xf32>
    %get3A_14 = arith.constant 0 : index
    %get3A_15 = arith.constant 0 : index
    %get3A_16 = vector.load %arg5[%get3A_14, %get3A_15] : memref<96x1xf32, #tpu.memory_space<vmem>>, vector<96x1xf32>
    %add3A_17 = vector.broadcast %get3A_16 : vector<96x1xf32> to vector<96x2048xf32>
    %add3A_18 = arith.addf %add3A, %add3A_17 : vector<96x2048xf32>
    %max3A = arith.constant 0.000000e+00 : f32
    %max3A_19 = vector.broadcast %max3A : f32 to vector<96x2048xf32>
    %max3A_20 = arith.maximumf %add3A_18, %max3A_19 : vector<96x2048xf32>
    %get3A_21 = arith.constant 0 : index
    %get3A_22 = arith.constant 0 : index
    %get3A_23 = vector.load %arg6[%get3A_21, %get3A_22] : memref<96x1000xf32, #tpu.memory_space<vmem>>, vector<96x1000xf32>
    %dot_general3A_24 = arith.constant dense<0.000000e+00> : vector<1000x2048xf32>
    %dot_general3A_25 = tpu.matmul %get3A_23, %max3A_20, %dot_general3A_24 {dimension_numbers = #tpu.dot_dimension_numbers<[0], [0], [1], [1], [0, 1, 1, 1], [], []>, transpose_lhs_hint = false} : vector<96x1000xf32>, vector<96x2048xf32>, vector<1000x2048xf32> -> vector<1000x2048xf32>
    %get3A_26 = arith.constant 0 : index
    %get3A_27 = arith.constant 0 : index
    %get3A_28 = vector.load %arg7[%get3A_26, %get3A_27] : memref<1000x1xf32, #tpu.memory_space<vmem>>, vector<1000x1xf32>
    %add3A_29 = vector.broadcast %get3A_28 : vector<1000x1xf32> to vector<1000x2048xf32>
    %add3A_30 = arith.addf %dot_general3A_25, %add3A_29 : vector<1000x2048xf32>
    %logistic3A = arith.negf %add3A_30 : vector<1000x2048xf32>
    %logistic3A_31 = math.exp %logistic3A : vector<1000x2048xf32>
    %logistic3A_32 = arith.constant 1.000000e+00 : f32
    %logistic3A_33 = vector.broadcast %logistic3A_32 : f32 to vector<1000x2048xf32>
    %logistic3A_34 = arith.addf %logistic3A_33, %logistic3A_31 : vector<1000x2048xf32>
    %logistic3A_35 = arith.divf %logistic3A_33, %logistic3A_34 : vector<1000x2048xf32>
    %swap3A = arith.constant 0 : index
    %swap3A_36 = arith.constant 0 : index
    %swap3A_37 = vector.load %arg8[%swap3A, %swap3A_36] : memref<1000x2048xf32, #tpu.memory_space<vmem>>, vector<1000x2048xf32>
    tpu.vector_store %arg8[%swap3A, %swap3A_36], %logistic3A_35 {strides = array<i32>} : memref<1000x2048xf32, #tpu.memory_space<vmem>>, vector<1000x2048xf32>,
    return
  }
  func.func @transform_0(%arg0: i32) -> (i32, i32) {
    %c0_i32 = arith.constant 0 : i32
    %c0_i32_0 = arith.constant 0 : i32
    return %arg0, %c0_i32 : i32, i32
  }
  func.func @transform_1(%arg0: i32) -> (i32, i32) {
    %c0_i32 = arith.constant 0 : i32
    %c0_i32_0 = arith.constant 0 : i32
    return %arg0, %c0_i32 : i32, i32
  }
  func.func @transform_2(%arg0: i32) -> (i32, i32) {
    %c0_i32 = arith.constant 0 : i32
    %c0_i32_0 = arith.constant 0 : i32
    %c0_i32_1 = arith.constant 0 : i32
    return %c0_i32, %c0_i32_0 : i32, i32
  }
  func.func @transform_3(%arg0: i32) -> (i32, i32) {
    %c0_i32 = arith.constant 0 : i32
    %c0_i32_0 = arith.constant 0 : i32
    %c0_i32_1 = arith.constant 0 : i32
    return %c0_i32, %c0_i32_0 : i32, i32
  }
  func.func @transform_4(%arg0: i32) -> (i32, i32) {
    %c0_i32 = arith.constant 0 : i32
    %c0_i32_0 = arith.constant 0 : i32
    %c0_i32_1 = arith.constant 0 : i32
    return %c0_i32, %c0_i32_0 : i32, i32
  }
  func.func @transform_5(%arg0: i32) -> (i32, i32) {
    %c0_i32 = arith.constant 0 : i32
    %c0_i32_0 = arith.constant 0 : i32
    %c0_i32_1 = arith.constant 0 : i32
    return %c0_i32, %c0_i32_0 : i32, i32
  }
  func.func @transform_6(%arg0: i32) -> (i32, i32) {
    %c0_i32 = arith.constant 0 : i32
    %c0_i32_0 = arith.constant 0 : i32
    %c0_i32_1 = arith.constant 0 : i32
    return %c0_i32, %c0_i32_0 : i32, i32
  }
  func.func @transform_7(%arg0: i32) -> (i32, i32) {
    %c0_i32 = arith.constant 0 : i32
    %c0_i32_0 = arith.constant 0 : i32
    return %c0_i32, %arg0 : i32, i32
  }
}

</mosaic_0001>

<sc_bundles>
// kernel: kernel.4.cloned.1.call-start
scs
__scs_entry_jumppad:
0x0: {  	(pc) =	sbr.rel $0x88, $3  }
0x1: {  	(tag) =	ssettag $0x0;
	lr =	simm.s32 $0x1  }
0x2: {  	[smem:$0x3F99] =	sst lr;
	_ =	strace $0xD0000000  }
0x3: {  	_ = 	snop  }
0x4: {  	_ = 	snop  }
0x5: {  	_ = 	snop  }
0x6: {  	_ = 	snop  }
0x7: {  	_ = 	snop  }
__scs_overlays_trampoline_lowered:
0x8: {  	[smem:$0x3FA8] =	sst s0  }
0x9: {  	[smem:$0x3FA9] =	sst s1  }
0xa: {  	[smem:$0x3FAA] =	sst s2  }
0xb: {  	[smem:$0x3FAB] =	sst s3  }
0xc: {  	[smem:$0x3FAC] =	sst s4  }
0xd: {  	[smem:$0x3FAD] =	sst s5  }
0xe: {  	[smem:$0x3FAE] =	sst s6  }
0xf: {  	[smem:$0x3FAF] =	sst s7  }
0x10: {  	[smem:$0x3FB0] =	sst s8  }
0x11: {  	[smem:$0x3FB1] =	sst s9;
	s0 =	simm.s32 @!p0 $0x0  }
0x12: {  	s1 =	sld [smem:$0x3F97];
	s0 =	simm.s32 @p0 $0x1  }
0x13: {  	[smem:$0x3FB2] =	sst s0;
	s0 =	simm.s32 @!p1 $0x0  }
0x14: {  	s2 =	sld [smem:$0x3F96];
	s0 =	simm.s32 @p1 $0x1  }
0x15: {  	[smem:$0x3FB3] =	sst s0;
	s0 =	simm.s32 @!p2 $0x0  }
0x16: {  	s3 =	sld [smem:$0x3FDB];
	s0 =	simm.s32 @p2 $0x1  }
0x17: {  	s4 =	simm.s32 $0x1BF5;
	[smem:$0x3FB5] =	sst s0  }
0x18: {  	s0 =	sld [smem:$0x3F98];
	_ =	swait.ge [sflag:s4], $0x0  }
0x19: {  	s7 =	sld [smem:$0x3F99]  }
0x1a: {  	s8 =	sadd.s32 $0xFFFFE003, lr  }
0x1b: {  	s9 =	sadd.s32 $0xFFFFFEF7, lr;
	s5 =	simm.s32 $0xFFFFFFFF;
	p2 =	slt.u32 s8, $0xFFFFF086  }
0x1c: {  	p1 =	slt.u32 s9, $0xF7A;
	s5 =	simm.s32 @!p2 $0x0  }
0x1d: {  	s5 =	simm.s32 @p1 $0x1;
	p0 =	seq.s32 s7, s2  }
0x1e: {  	s7 =	smul.u32 @!p0 $0xF7A, s2;
	p2 =	seq.s32 @!p0 s5, $0x0  }
0x1f: {  	s9 =	smul.u32 $0xF7A, s1;
	s8 =	simm.s32 @!p0 $0x1BF5;
	p2 =	por !p2, p0  }
0x20: {  	[sflag:s8] =	ssyncset.s32 @!p0 $0xFFFFF086;
	s6 =	sadd.s32 @!p0 s3, s7;
	s7 =	simm.s32 @!p0 $0x108  }
0x21: {  	s3 =	sadd.s32 s3, s9;
	s6 =	sadd.s32 @!p0 $0x88, s6;
	s7 =	simm.s32 @p2 $0x1082  }
0x22: {  	[simem:s7], [sflag:s8] =	dma.local @!p0 [hbm:s6], $0xF7A  }
0x23: {  	s9 =	sor.u32 $0xD0000000, s2;
	s6 =	simm.s32 $0x108;
	_ =	swait.ge @!p0 [sflag:s8], $0x0  }
0x24: {  	s3 =	sadd.s32 $0x88, s3;
	s6 =	simm.s32 @!p1 $0x1082;
	[sflag:s4] =	ssyncset.s32 $0xFFFFF086  }
0x25: {  	[simem:s6], [sflag:s4] =	dma.local [hbm:s3], $0xF7A  }
0x26: {  	[smem:$0x3F99] =	sst s1;
	(tag) =	ssettag s2;
	_ =	strace s9  }
0x27: {  	s1 =	sld [smem:$0x3FA9]  }
0x28: {  	s2 =	sld [smem:$0x3FAA]  }
0x29: {  	s4 =	sld [smem:$0x3FAC]  }
0x2a: {  	p0 =	seq.s32 s5, $0x0;
	s5 =	sld [smem:$0x3FAD]  }
0x2b: {  	s6 =	sld [smem:$0x3FAE]  }
0x2c: {  	s7 =	sld [smem:$0x3FAF]  }
0x2d: {  	s3 =	simm.s32 $0x108;
	s8 =	sld [smem:$0x3FB0]  }
0x2e: {  	s3 =	simm.s32 @!p0 $0x1082;
	s9 =	sld [smem:$0x3FB1]  }
0x2f: {  	lr =	sadd.s32 s0, s3;
	s0 =	sld [smem:$0x3FA8]  }
0x30: {  	s3 =	sld [smem:$0x3FAB]  }
0x31: {  	[smem:$0x3FB4] =	sst s10  }
0x32: {  	s10 =	sld [smem:$0x3FB2];
	_ =	sdelay $0x3  }
0x33: {  	p0 =	seq.s32 s10, $0x1;
	s10 =	sld [smem:$0x3FB4];
	_ =	sdelay $0x3  }
0x34: {  	[smem:$0x3FB4] =	sst s10  }
0x35: {  	s10 =	sld [smem:$0x3FB3];
	_ =	sdelay $0x3  }
0x36: {  	p1 =	seq.s32 s10, $0x1;
	s10 =	sld [smem:$0x3FB4];
	_ =	sdelay $0x3  }
0x37: {  	[smem:$0x3FB4] =	sst s10  }
0x38: {  	s10 =	sld [smem:$0x3FB5]  }
0x39: {  	_ = 	snop;
	(pc) =	sbr.ind lr, $3  }
0x3a: {  	_ = 	snop  }
0x3b: {  	_ = 	snop  }
0x3c: {  	p2 =	seq.s32 s10, $0x1;
	s10 =	sld [smem:$0x3FB4]  }
0x3d: {  	_ =	shalt  }
0x3e: {  	_ =	shalt  }
0x3f: {  	_ =	shalt  }
0x40: {  	_ =	shalt  }
0x41: {  	_ =	shalt  }
0x42: {  	_ =	shalt  }
0x43: {  	_ =	shalt  }
0x44: {  	_ =	shalt  }
0x45: {  	_ =	shalt  }
0x46: {  	_ =	shalt  }
0x47: {  	_ =	shalt  }
0x48: {  	_ =	shalt  }
0x49: {  	_ =	shalt  }
0x4a: {  	_ =	shalt  }
0x4b: {  	_ =	shalt  }
0x4c: {  	_ =	shalt  }
0x4d: {  	_ =	shalt  }
0x4e: {  	_ =	shalt  }
0x4f: {  	_ =	shalt  }
0x50: {  	_ =	shalt  }
0x51: {  	_ =	shalt  }
0x52: {  	_ =	shalt  }
0x53: {  	_ =	shalt  }
0x54: {  	_ =	shalt  }
0x55: {  	_ =	shalt  }
0x56: {  	_ =	shalt  }
0x57: {  	_ =	shalt  }
0x58: {  	_ =	shalt  }
0x59: {  	_ =	shalt  }
0x5a: {  	_ =	shalt  }
0x5b: {  	_ =	shalt  }
0x5c: {  	_ =	shalt  }
0x5d: {  	_ =	shalt  }
0x5e: {  	_ =	shalt  }
0x5f: {  	_ =	shalt  }
0x60: {  	_ =	shalt  }
0x61: {  	_ =	shalt  }
0x62: {  	_ =	shalt  }
0x63: {  	_ =	shalt  }
0x64: {  	_ =	shalt  }
0x65: {  	_ =	shalt  }
0x66: {  	_ =	shalt  }
0x67: {  	_ =	shalt  }
0x68: {  	_ =	shalt  }
0x69: {  	_ =	shalt  }
0x6a: {  	_ =	shalt  }
0x6b: {  	_ =	shalt  }
0x6c: {  	_ =	shalt  }
0x6d: {  	_ =	shalt  }
0x6e: {  	_ =	shalt  }
0x6f: {  	_ =	shalt  }
0x70: {  	_ =	shalt  }
0x71: {  	_ =	shalt  }
0x72: {  	_ =	shalt  }
0x73: {  	_ =	shalt  }
0x74: {  	_ =	shalt  }
0x75: {  	_ =	shalt  }
0x76: {  	_ =	shalt  }
0x77: {  	_ =	shalt  }
0x78: {  	_ =	shalt  }
0x79: {  	_ =	shalt  }
0x7a: {  	_ =	shalt  }
0x7b: {  	_ =	shalt  }
0x7c: {  	_ =	shalt  }
0x7d: {  	_ =	shalt  }
0x7e: {  	_ =	shalt  }
0x7f: {  	_ =	shalt  }
0x80: {  	_ =	shalt  }
0x81: {  	_ =	shalt  }
0x82: {  	_ =	shalt  }
0x83: {  	_ =	shalt  }
0x84: {  	_ =	shalt  }
0x85: {  	_ =	shalt  }
0x86: {  	_ =	shalt  }
0x87: {  	_ =	shalt  }
.Lfunc_end0:
.L_simem_size_0:
called_computation_lowered:
.L_overlay_start_0:
0x88: {  	s2 =	sld [smem:$0x3FD9]  }
0x89: {  	s3 =	sld [smem:$0x3FFE];
	_ =	sdelay $0x1  }
0x8a: {  	s1 =	srdreg.scid  }
0x8b: {  	s0 =	sand.u32 $0x1, s1  }
0x8c: {  	s17 =	sshll.u32 s0, $0xA;
	s2 =	sadd.s32 s3, s2  }
0x8d: {  	s2 =	sadd.s32 s2, s17  }
0x8e: {  	[smem:$0x3FC0] =	sst s2  }
0x8f: {  	_ = 	snop  }
0x90: {  	s2 =	sld [smem:$0x3FC9]  }
0x91: {  	s18 =	sld [smem:$0x3FC8]  }
0x92: {  	s4 =	sld [smem:$0x3FC7]  }
0x93: {  	s5 =	sld [smem:$0x3FD0];
	(tm) =	ssettm $0x1  }
0x94: {  	s6 =	sld [smem:$0x3FFB];
	_ =	sdelay $0x3  }
0x95: {  	_ =	strace s6  }
0x96: {  	s6 =	sld [smem:$0x3FFC];
	_ =	sdelay $0x3  }
0x97: {  	_ =	strace s6  }
0x98: {  	s6 =	sld [smem:$0x3FFD];
	_ =	sdelay $0x3  }
0x99: {  	_ =	strace s6  }
0x9a: {  	_ =	strace $0x8FFFFFFF  }
0x9b: {  	s19 =	sld [smem:$0x3FDB];
	_ =	sdelay $0x1  }
0x9c: {  	s7 =	simm.s32 $_scs_section_size  }
0x9d: {  	s8 =	simm.s32 $_size__tile_overlayer_lowered;
	s9 =	simm.s32 $_tile_overlayer_lowered  }
0x9e: {  	s22 =	simm.s32 $0x1BFF;
	s21 =	sshll.u32 s9, $0x1;
	s6 =	sadd.s32 s7, s19  }
0x9f: {  	s10 =	simm.s32 $0x0;
	s20 =	sshll.u32 s8, $0x1;
	s8 =	sadd.s32 s21, s6  }
0xa0: {  	[timem:s10], [sflag:s22] =	dma.local [hbm:s8], s20  }
0xa1: {  	_ =	swait.ge [sflag:s22], s20  }
0xa2: {  	s7 =	ssub.s32 $0x0, s20;
	[sflag:s22] =	ssyncset.done $0x0  }
0xa3: {  	[sflag:s22] =	ssyncadd.s32 s7;
	_ =	sdelay $0x1  }
0xa4: {  	s23 =	simm.s32 $0x1B8B  }
0xa5: {  	_ =	swait.ge [sflag:s23], $0x1  }
0xa6: {  	[sflag:s23] =	ssyncset.done $0x0  }
0xa7: {  	s25 =	simm.s32 $0x1B8E;
	s24 =	sld [smem:$0x3FFE];
	[sflag:s23] =	ssyncadd.s32 $0xFFFFFFFF  }
0xa8: {  	s26 =	simm.s32 $execute0_lowered;
	[smem:$0x3FD2] =	sst s25  }
0xa9: {  	s8 =	sshll.u32 s26, $0x1;
	_ =	strace $0x80000046;
	[dreg:$0x1] =	wrdreg $0xFFFFFFFF  }
0xaa: {  	s28 =	simm.s32 $_size_execute0_lowered;
	s6 =	sadd.s32 s6, s8;
	[dreg:$0x0] =	wrdreg $0x0  }
0xab: {  	s8 =	sshll.u32 s28, $0x1;
	[dreg:$0x2] =	wrdreg s6  }
0xac: {  	[dreg:$0x3] =	wrdreg s8  }
0xad: {  	[dreg:$0x4] =	wrdreg $0xC0  }
0xae: {  	_ =	task [dreg:s10], $0x5FFFF  }
0xaf: {  	[dreg:$0x1] =	wrdreg $0xFFFFFFFF  }
0xb0: {  	[dreg:$0x0] =	wrdreg $0x60  }
0xb1: {  	[dreg:$0x2] =	wrdreg s2  }
0xb2: {  	[dreg:$0x3] =	wrdreg s4  }
0xb3: {  	[dreg:$0x4] =	wrdreg s18  }
0xb4: {  	[dreg:$0x5] =	wrdreg s24  }
0xb5: {  	[dreg:$0x6] =	wrdreg s5  }
0xb6: {  	[dreg:$0x7] =	wrdreg $0x9  }
0xb7: {  	_ =	task.clear_ibuf [dreg:s10], $0x8FFFF;
	_ =	strace $0x90000046  }
0xb8: {  	s29 =	simm.s32 $0x9;
	_ =	strace $0x80000048  }
0xb9: {  	_ =	swait.ge [sflag:s29], $0x1  }
0xba: {  	[sflag:s29] =	ssyncadd.s32 $0xFFFFFFFF  }
0xbb: {  	_ =	strace $0x90000048  }
0xbc: {  	_ =	sfence  }
0xbd: {  	s30 =	sld [smem:$0x0];
	_ =	sdelay $0x2  }
0xbe: {  	s31 =	sshll.u32 s1, $0xD;
	s1 =	sshrl.u32 s1, $0x2  }
0xbf: {  	s3 =	sand.u32 $0x4000, s31;
	s1 =	sadd.s32 s1, s30  }
0xc0: {  	s0 =	sor.u32 s3, s0;
	s1 =	sshll.u32 s1, $0x11  }
0xc1: {  	s0 =	sor.u32 s1, s0  }
0xc2: {  	s0 =	sadd.s32 $0x8F2B, s0  }
0xc3: {  	[sflag:s0] =	ssyncadd.remote.s32 $0x1  }
0xc4: {  	_ =	sfence.sel $0xFFFF  }
0xc5: {  	[dreg:$0x0] =	wrdreg $0xFFFFFFFF;
	(pc) =	sbr.abs _section_cstart, $3  }
0xc6: {  	[dreg:$0x1] =	wrdreg $0xFFFFFFFF  }
0xc7: {  	_ =	task.clear_ibuf [dreg:s10], $0x2FFFF;
	_ =	strace $0x9FFFFFFF  }
0xc8: {  	(tm) =	ssettm $0x7FFFFFFF  }
0xc9: {  	_ =	shalt  }
tec
execute0_lowered:
.L_overlay_start_1:
0x0: {  	(tag) =	ssettag $0x1  }
0x1: {  	v0 =	vimm.s32 $0xFEDCBA9;
	v2 =	vimm.s32 $0x10FEDCBA  }
0x2: {  	v3 =	vimm.s32 $0x98765432;
	v4 =	vimm.s32 $0x210FEDCB;
	v5 =	vimm.s32 $0xA9876543  }
0x3: {  	v8 =	vimm.s32 $0x3210FEDC;
	v9 =	vimm.s32 $0xBA987654;
	v15 =	vimm.s32 $0x543210FE  }
0x4: {  	v18 =	vimm.s32 $0x6543210F;
	v19 =	vimm.s32 $0xEDCBA987;
	vm14 =	vcmask $0x300  }
0x5: {  	vm13 =	vcmask $0x704;
	vm12 =	vcmask $0xB08;
	vm11 =	vcmask $0xF0C  }
0x6: {  	vm10 =	vcmask $0x1310;
	vm9 =	vcmask $0x1714;
	vm7 =	vcmask $0x1B18  }
0x7: {  	v0 =	vunpack.c.l.s4.s8 v0;
	v2 =	vunpack.c.l.s4.s8 v2;
	v3 =	vunpack.c.l.s4.s8 v3  }
0x8: {  	v4 =	vunpack.c.l.s4.s8 v4;
	v5 =	vunpack.c.l.s4.s8 v5;
	v8 =	vunpack.c.l.s4.s8 v8  }
0x9: {  	v15 =	vunpack.c.l.s4.s8 v15;
	v18 =	vunpack.c.l.s4.s8 v18;
	v19 =	vunpack.c.l.s4.s8 v19  }
0xa: {  	v10 =	vunpack.c.0.s8.s32 v2;
	v11 =	vunpack.c.0.s8.s32 v3;
	v2 =	vunpack.c.l.s4.s8 v9  }
0xb: {  	v9 =	vunpack.c.0.s8.s32 v4;
	v12 =	vunpack.c.0.s8.s32 v5;
	v13 =	vunpack.c.0.s8.s32 v8  }
0xc: {  	v3 =	vimm.s32 $0xCBA98765;
	v15 =	vunpack.c.0.s8.s32 v15;
	v18 =	vunpack.c.0.s8.s32 v18  }
0xd: {  	v3 =	vunpack.c.l.s4.s8 v3;
	v14 =	vunpack.c.0.s8.s32 v2;
	v2 =	vimm.s32 $0x43210FED  }
0xe: {  	v4 =	vcombine.low v11, v10;
	v5 =	vcombine.low v12, v9;
	v2 =	vunpack.c.l.s4.s8 v2  }
0xf: {  	v19 =	vunpack.c.0.s8.s32 v19;
	v10 =	vcombine.low v10, v11;
	v8 =	vcombine.low v14, v13  }
0x10: {  	v11 =	vcombine.low v9, v12;
	v17 =	vunpack.c.0.s8.s32 v3;
	v16 =	vunpack.c.0.s8.s32 v2  }
0x11: {  	v2 =	vand.u32 $0xF, v4;
	v4 =	vand.u32 $0xF, v8;
	v8 =	vimm.s32 $0xDCBA9876  }
0x12: {  	v12 =	vcombine.low v13, v14;
	v13 =	vimm.s32 $0x780;
	v8 =	vunpack.c.l.s4.s8 v8  }
0x13: {  	v3 =	vand.u32 $0xF, v5;
	v13 =	vsel vm14, $0x1, v13;
	v14 =	vcombine.low v16, v17  }
0x14: {  	v5 =	vcombine.low v17, v16;
	v16 =	vsel vm13, $0x82, v13;
	v21 =	vunpack.c.0.s8.s32 v8  }
0x15: {  	v13 =	vand.u32 $0xF, v14;
	v14 =	vsel vm12, $0x103, v16;
	v16 =	vcombine.low v18, v19  }
0x16: {  	v14 =	vsel vm11, $0x184, v14;
	v22 =	vcombine.low v21, v15;
	v15 =	vcombine.low v15, v21  }
0x17: {  	v6 =	vunpack.c.0.s8.s32 v0;
	v0 =	vlaneseq.u32;
	v17 =	vsel vm10, $0x205, v14  }
0x18: {  	v14 =	vand.u32 $0xF, v15;
	v15 =	vand.u32 $0xF, v16;
	v16 =	vmul.u32 $0x81, v0  }
0x19: {  	vm0 =	vcmask $0x1F1C;
	v59 =	vimm.s32 $0x782;
	v17 =	vsel vm9, $0x286, v17  }
0x1a: {  	vm1 =	vcmask $0x2320;
	[tilespmem:$0x1FF00] =	vst v16;
	v16 =	vsel vm7, $0x307, v17;
	v17 =	vimm.s32 $0x781  }
0x1b: {  	vm2 =	vcmask $0x2724;
	vm3 =	vcmask $0x2B28;
	v17 =	vsel vm14, $0x2, v17  }
0x1c: {  	v23 =	vcombine.low v19, v18;
	v18 =	vsel vm14, $0x3, v59;
	v17 =	vsel vm13, $0x83, v17  }
0x1d: {  	vm4 =	vcmask $0x2F2C;
	v18 =	vsel vm13, $0x84, v18;
	v17 =	vsel vm12, $0x104, v17  }
0x1e: {  	vm5 =	vcmask $0x3330;
	v18 =	vsel vm12, $0x105, v18;
	v17 =	vsel vm11, $0x185, v17  }
0x1f: {  	vm6 =	vcmask $0x3734;
	v18 =	vsel vm11, $0x186, v18;
	v17 =	vsel vm10, $0x206, v17  }
0x20: {  	vm8 =	vcmask $0x3B38;
	v18 =	vsel vm10, $0x207, v18;
	v17 =	vsel vm9, $0x287, v17  }
0x21: {  	v18 =	vsel vm9, $0x288, v18;
	v16 =	vsel vm0, $0x388, v16;
	v17 =	vsel vm7, $0x308, v17  }
0x22: {  	v18 =	vsel vm7, $0x309, v18;
	v16 =	vsel vm1, $0x409, v16;
	v17 =	vsel vm0, $0x389, v17  }
0x23: {  	v18 =	vsel vm0, $0x38A, v18;
	v16 =	vsel vm2, $0x48A, v16;
	v17 =	vsel vm1, $0x40A, v17  }
0x24: {  	v18 =	vsel vm1, $0x40B, v18;
	v16 =	vsel vm3, $0x50B, v16;
	v17 =	vsel vm2, $0x48B, v17  }
0x25: {  	v18 =	vsel vm2, $0x48C, v18;
	v16 =	vsel vm4, $0x58C, v16;
	v17 =	vsel vm3, $0x50C, v17  }
0x26: {  	v18 =	vsel vm3, $0x50D, v18;
	v16 =	vsel vm5, $0x60D, v16;
	v17 =	vsel vm4, $0x58D, v17  }
0x27: {  	v18 =	vsel vm4, $0x58E, v18;
	v16 =	vsel vm6, $0x68E, v16;
	v17 =	vsel vm5, $0x60E, v17  }
0x28: {  	v18 =	vsel vm5, $0x60F, v18;
	v16 =	vsel vm8, $0x70F, v16;
	v17 =	vsel vm6, $0x68F, v17  }
0x29: {  	v18 =	vsel vm6, $0x680, v18;
	[tilespmem:$0x1FF10] =	vst v16;
	v16 =	vsel vm8, $0x700, v17  }
0x2a: {  	[tilespmem:$0x1FF20] =	vst v16;
	v16 =	vsel vm8, $0x701, v18  }
0x2b: {  	[tilespmem:$0x1FF30] =	vst v16;
	v16 =	vimm.s32 $0x783  }
0x2c: {  	v17 =	vimm.s32 $0x784;
	v16 =	vsel vm14, $0x4, v16  }
0x2d: {  	v60 =	vimm.s32 $0x785;
	v17 =	vsel vm14, $0x5, v17;
	v16 =	vsel vm13, $0x85, v16  }
0x2e: {  	v18 =	vsel vm14, $0x6, v60;
	v17 =	vsel vm13, $0x86, v17;
	v16 =	vsel vm12, $0x106, v16  }
0x2f: {  	v18 =	vsel vm13, $0x87, v18;
	v17 =	vsel vm12, $0x107, v17;
	v16 =	vsel vm11, $0x187, v16  }
0x30: {  	v18 =	vsel vm12, $0x108, v18;
	v17 =	vsel vm11, $0x188, v17;
	v16 =	vsel vm10, $0x208, v16  }
0x31: {  	v18 =	vsel vm11, $0x189, v18;
	v17 =	vsel vm10, $0x209, v17;
	v16 =	vsel vm9, $0x289, v16  }
0x32: {  	v18 =	vsel vm10, $0x20A, v18;
	v17 =	vsel vm9, $0x28A, v17;
	v16 =	vsel vm7, $0x30A, v16  }
0x33: {  	v18 =	vsel vm9, $0x28B, v18;
	v17 =	vsel vm7, $0x30B, v17;
	v16 =	vsel vm0, $0x38B, v16  }
0x34: {  	v18 =	vsel vm7, $0x30C, v18;
	v17 =	vsel vm0, $0x38C, v17;
	v16 =	vsel vm1, $0x40C, v16  }
0x35: {  	v18 =	vsel vm0, $0x38D, v18;
	v17 =	vsel vm1, $0x40D, v17;
	v16 =	vsel vm2, $0x48D, v16  }
0x36: {  	v18 =	vsel vm1, $0x40E, v18;
	v17 =	vsel vm2, $0x48E, v17;
	v16 =	vsel vm3, $0x50E, v16  }
0x37: {  	v18 =	vsel vm2, $0x48F, v18;
	v17 =	vsel vm3, $0x50F, v17;
	v16 =	vsel vm4, $0x58F, v16  }
0x38: {  	v18 =	vsel vm3, $0x500, v18;
	v17 =	vsel vm4, $0x580, v17;
	v16 =	vsel vm5, $0x600, v16  }
0x39: {  	v18 =	vsel vm4, $0x581, v18;
	v17 =	vsel vm5, $0x601, v17;
	v16 =	vsel vm6, $0x681, v16  }
0x3a: {  	v18 =	vsel vm5, $0x602, v18;
	v17 =	vsel vm6, $0x682, v17;
	v16 =	vsel vm8, $0x702, v16  }
0x3b: {  	v18 =	vsel vm6, $0x683, v18;
	[tilespmem:$0x1FF40] =	vst v16;
	v16 =	vsel vm8, $0x703, v17  }
0x3c: {  	[tilespmem:$0x1FF50] =	vst v16;
	v16 =	vsel vm8, $0x704, v18  }
0x3d: {  	v1 =	vimm.s32 $0x87654321;
	v20 =	vimm.s32 $0xFEDCBA98;
	[tilespmem:$0x1FF60] =	vst v16;
	v16 =	vimm.s32 $0x786  }
0x3e: {  	v61 =	vimm.s32 $0x788;
	v17 =	vimm.s32 $0x787;
	v16 =	vsel vm14, $0x7, v16  }
0x3f: {  	v1 =	vunpack.c.l.s4.s8 v1;
	v17 =	vsel vm14, $0x8, v17;
	v16 =	vsel vm13, $0x88, v16  }
0x40: {  	v18 =	vsel vm14, $0x9, v61;
	v17 =	vsel vm13, $0x89, v17;
	v16 =	vsel vm12, $0x109, v16  }
0x41: {  	v18 =	vsel vm13, $0x8A, v18;
	v17 =	vsel vm12, $0x10A, v17;
	v16 =	vsel vm11, $0x18A, v16  }
0x42: {  	v18 =	vsel vm12, $0x10B, v18;
	v17 =	vsel vm11, $0x18B, v17;
	v16 =	vsel vm10, $0x20B, v16  }
0x43: {  	v18 =	vsel vm11, $0x18C, v18;
	v17 =	vsel vm10, $0x20C, v17;
	v16 =	vsel vm9, $0x28C, v16  }
0x44: {  	v18 =	vsel vm10, $0x20D, v18;
	v17 =	vsel vm9, $0x28D, v17;
	v16 =	vsel vm7, $0x30D, v16  }
0x45: {  	v18 =	vsel vm9, $0x28E, v18;
	v17 =	vsel vm7, $0x30E, v17;
	v16 =	vsel vm0, $0x38E, v16  }
0x46: {  	v18 =	vsel vm7, $0x30F, v18;
	v17 =	vsel vm0, $0x38F, v17;
	v16 =	vsel vm1, $0x40F, v16  }
0x47: {  	v18 =	vsel vm0, $0x380, v18;
	v17 =	vsel vm1, $0x400, v17;
	v16 =	vsel vm2, $0x480, v16  }
0x48: {  	v18 =	vsel vm1, $0x401, v18;
	v17 =	vsel vm2, $0x481, v17;
	v16 =	vsel vm3, $0x501, v16  }
0x49: {  	v18 =	vsel vm2, $0x482, v18;
	v17 =	vsel vm3, $0x502, v17;
	v16 =	vsel vm4, $0x582, v16  }
0x4a: {  	v18 =	vsel vm3, $0x503, v18;
	v17 =	vsel vm4, $0x583, v17;
	v16 =	vsel vm5, $0x603, v16  }
0x4b: {  	v18 =	vsel vm4, $0x584, v18;
	v17 =	vsel vm5, $0x604, v17;
	v16 =	vsel vm6, $0x684, v16  }
0x4c: {  	v18 =	vsel vm5, $0x605, v18;
	v17 =	vsel vm6, $0x685, v17;
	v16 =	vsel vm8, $0x705, v16  }
0x4d: {  	v20 =	vunpack.c.l.s4.s8 v20;
	v18 =	vsel vm6, $0x686, v18;
	[tilespmem:$0x1FF70] =	vst v16;
	v16 =	vsel vm8, $0x706, v17  }
0x4e: {  	v62 =	vimm.s32 $0x78B;
	v7 =	vunpack.c.0.s8.s32 v1;
	[tilespmem:$0x1FF80] =	vst v16;
	v16 =	vsel vm8, $0x707, v18  }
0x4f: {  	v63 =	vimm.s32 $0x78E;
	v20 =	vunpack.c.0.s8.s32 v20;
	[tilespmem:$0x1FF90] =	vst v16;
	v16 =	vimm.s32 $0x789  }
0x50: {  	v1 =	vcombine.low v7, v6;
	v17 =	vimm.s32 $0x78A;
	v16 =	vsel vm14, $0xA, v16  }
0x51: {  	v24 =	vcombine.low v6, v7;
	v17 =	vsel vm14, $0xB, v17;
	v16 =	vsel vm13, $0x8B, v16  }
0x52: {  	v18 =	vsel vm14, $0xC, v62;
	v17 =	vsel vm13, $0x8C, v17;
	v16 =	vsel vm12, $0x10C, v16  }
0x53: {  	v18 =	vsel vm13, $0x8D, v18;
	v17 =	vsel vm12, $0x10D, v17;
	v16 =	vsel vm11, $0x18D, v16  }
0x54: {  	v18 =	vsel vm12, $0x10E, v18;
	v17 =	vsel vm11, $0x18E, v17;
	v16 =	vsel vm10, $0x20E, v16  }
0x55: {  	v18 =	vsel vm11, $0x18F, v18;
	v17 =	vsel vm10, $0x20F, v17;
	v16 =	vsel vm9, $0x28F, v16  }
0x56: {  	v18 =	vsel vm10, $0x200, v18;
	v17 =	vsel vm9, $0x280, v17;
	v16 =	vsel vm7, $0x300, v16  }
0x57: {  	v18 =	vsel vm9, $0x281, v18;
	v17 =	vsel vm7, $0x301, v17;
	v16 =	vsel vm0, $0x381, v16  }
0x58: {  	v18 =	vsel vm7, $0x302, v18;
	v17 =	vsel vm0, $0x382, v17;
	v16 =	vsel vm1, $0x402, v16  }
0x59: {  	v18 =	vsel vm0, $0x383, v18;
	v17 =	vsel vm1, $0x403, v17;
	v16 =	vsel vm2, $0x483, v16  }
0x5a: {  	v18 =	vsel vm1, $0x404, v18;
	v17 =	vsel vm2, $0x484, v17;
	v16 =	vsel vm3, $0x504, v16  }
0x5b: {  	v18 =	vsel vm2, $0x485, v18;
	v17 =	vsel vm3, $0x505, v17;
	v16 =	vsel vm4, $0x585, v16  }
0x5c: {  	v18 =	vsel vm3, $0x506, v18;
	v17 =	vsel vm4, $0x586, v17;
	v16 =	vsel vm5, $0x606, v16  }
0x5d: {  	v18 =	vsel vm4, $0x587, v18;
	v17 =	vsel vm5, $0x607, v17;
	v16 =	vsel vm6, $0x687, v16  }
0x5e: {  	v18 =	vsel vm5, $0x608, v18;
	v17 =	vsel vm6, $0x688, v17;
	v16 =	vsel vm8, $0x708, v16  }
0x5f: {  	v20 =	vand.u32 $0xF, v20;
	v18 =	vsel vm6, $0x689, v18;
	[tilespmem:$0x1FFA0] =	vst v16;
	v16 =	vsel vm8, $0x709, v17  }
0x60: {  	v1 =	vand.u32 $0xF, v1;
	v7 =	vand.u32 $0xF, v23;
	[tilespmem:$0x1FFB0] =	vst v16;
	v16 =	vsel vm8, $0x70A, v18  }
0x61: {  	v9 =	vand.u32 $0xF, v24;
	v10 =	vand.u32 $0xF, v10;
	[tilespmem:$0x1FFC0] =	vst v16;
	v16 =	vimm.s32 $0x78C  }
0x62: {  	v8 =	vimm.s32 $0x76543210;
	v17 =	vimm.s32 $0x78D;
	v16 =	vsel vm14, $0xD, v16  }
0x63: {  	s1 =	rddreg [dreg:$0x0];
	v8 =	vunpack.c.l.s4.s8 v8;
	v17 =	vsel vm14, $0xE, v17;
	v16 =	vsel vm13, $0x8E, v16  }
0x64: {  	s0 =	rddreg [dreg:$0x1];
	v18 =	vsel vm14, $0xF, v63;
	v17 =	vsel vm13, $0x8F, v17;
	v16 =	vsel vm12, $0x10F, v16  }
0x65: {  	s3 =	rddreg [dreg:$0x2];
	v18 =	vsel vm13, $0x80, v18;
	v17 =	vsel vm12, $0x100, v17;
	v16 =	vsel vm11, $0x180, v16  }
0x66: {  	s4 =	rddreg [dreg:$0x3];
	v18 =	vsel vm12, $0x101, v18;
	v17 =	vsel vm11, $0x181, v17;
	v16 =	vsel vm10, $0x201, v16  }
0x67: {  	s9 =	rddreg [dreg:$0x4];
	v18 =	vsel vm11, $0x182, v18;
	v17 =	vsel vm10, $0x202, v17;
	v16 =	vsel vm9, $0x282, v16  }
0x68: {  	s2 =	simm.s32 $0x0;
	s5 =	srdreg.scid;
	s29 =	stileid.u32;
	v18 =	vsel vm10, $0x203, v18;
	v17 =	vsel vm9, $0x283, v17;
	v16 =	vsel vm7, $0x303, v16  }
0x69: {  	s14 =	simm.s32 $0x4;
	s15 =	simm.s32 $0x80;
	s16 =	simm.s32 $0x16C80;
	v18 =	vsel vm9, $0x284, v18;
	v17 =	vsel vm7, $0x304, v17;
	v16 =	vsel vm0, $0x384, v16  }
0x6a: {  	s20 =	simm.s32 $0x7200;
	s21 =	simm.s32 $0x1;
	s22 =	simm.s32 $0x2;
	v18 =	vsel vm7, $0x305, v18;
	v17 =	vsel vm0, $0x385, v17;
	v16 =	vsel vm1, $0x405, v16  }
0x6b: {  	s23 =	simm.s32 $0x180;
	s24 =	simm.s32 $0x1AC80;
	s25 =	simm.s32 $0x3;
	v18 =	vsel vm0, $0x386, v18;
	v17 =	vsel vm1, $0x406, v17;
	v16 =	vsel vm2, $0x486, v16  }
0x6c: {  	s26 =	simm.s32 $0x100;
	[smem:$0x7FF] =	sst s2;
	s5 =	sand.u32 $0x1, s5;
	v18 =	vsel vm1, $0x407, v18;
	v17 =	vsel vm2, $0x487, v17;
	v16 =	vsel vm3, $0x507, v16  }
0x6d: {  	s6 =	sadd.s32 $0x1400, s4;
	s7 =	ssub.s32 $0x2, s5;
	s8 =	sshll.u32 s5, $0x9;
	v18 =	vsel vm2, $0x488, v18;
	v17 =	vsel vm3, $0x508, v17;
	v16 =	vsel vm4, $0x588, v16  }
0x6e: {  	_ =	strace $0x80000047;
	[dreg:$0x6] =	wrdreg s6;
	s6 =	sshll.u32 s29, $0xA;
	v18 =	vsel vm3, $0x509, v18;
	v17 =	vsel vm4, $0x589, v17;
	v16 =	vsel vm5, $0x609, v16  }
0x6f: {  	s28 =	simm.s32 $0x0;
	s30 =	sshrl.u32 s7, $0x1;
	s6 =	sor.u32 s8, s6;
	v18 =	vsel vm4, $0x58A, v18;
	v17 =	vsel vm5, $0x60A, v17;
	v16 =	vsel vm6, $0x68A, v16  }
0x70: {  	s5 =	sadd.s32 $0x3400, s4;
	s4 =	ssub.s32 s7, s30;
	s31 =	sshrl.u32 s6, $0x3;
	v18 =	vsel vm5, $0x60B, v18;
	v17 =	vsel vm6, $0x68B, v17;
	v16 =	vsel vm8, $0x70B, v16  }
0x71: {  	s13 =	smax.u32 s4, $0x1;
	v8 =	vunpack.c.0.s8.s32 v8;
	s10 =	sshll.u32 s6, $0x4;
	s1 =	sadd.s32 s1, s31;
	v18 =	vsel vm6, $0x68C, v18;
	[tilespmem:$0x1FFD0] =	vst v16;
	v16 =	vsel vm8, $0x70C, v17  }
0x72: {  	v11 =	vand.u32 $0xF, v11;
	v12 =	vand.u32 $0xF, v12;
	s8 =	sadd.s32 s3, s6;
	s9 =	sadd.s32 s9, s10;
	[dreg:$0x7] =	wrdreg s1;
	[tilespmem:$0x1FFE0] =	vst v16;
	v16 =	vsel vm8, $0x70D, v18  }
0x73: {  	v5 =	vand.u32 $0xF, v5;
	v6 =	vand.u32 $0xF, v22;
	v8 =	vcombine.low v20, v8;
	s10 =	sadd.s32 $0x1000, s9;
	s11 =	sadd.s32 $0x800, s9;
	s12 =	sadd.s32 $0x1800, s9;
	[tilespmem:$0x1FFF0] =	vst v16  }
.LBB2_1:
0x74: {  	s1 =	rddreg [dreg:$0x7]  }
0x75: {  	[tilespmem:s2], [sflag:$0x4] =	stream.linear.gather [hbm4b:s1+s2], $0x200, $0x38;
	[tilespmem:$0x1FC80] =	vst v63  }
0x76: {  	_ =	swait.ge [sflag:s14], $0x200  }
0x77: {  	[sflag:s14] =	ssyncset.done $0x0  }
0x78: {  	[sflag:s14] =	ssyncadd.s32 $0xFFFFFE00  }
0x79: {  	[tilespmem:s16], [sflag:$0x1] =	stream.indirect.gather [hbm4b:s0+s15], $0x80, s2, s15, $0xb8;
	[tilespmem:$0x1FC80] =	vst v63  }
0x7a: {  	s30 =	simm.s32 $0x1000;
	s3 =	simm.s32 $0x20000;
	s4 =	simm.s32 $0x200  }
0x7b: {  	[tilespmem:s4], [sflag:$0x4] =	stream.strided.gather [hbm4b:s8+s30], $0x7000, s3, s30, $0x38;
	[tilespmem:$0x1FC80] =	vst v63  }
0x7c: {  	_ =	swait.ge [sflag:s14], $0x7000  }
0x7d: {  	[sflag:s14] =	ssyncset.done $0x0  }
0x7e: {  	s31 =	rddreg [dreg:$0x6];
	[sflag:s14] =	ssyncadd.s32 $0xFFFF9000  }
0x7f: {  	[tilespmem:s20], [sflag:$0x4] =	stream.linear.gather [hbm4b:s31+s2], $0xFA80, $0x38;
	[tilespmem:$0x1FC80] =	vst v63  }
0x80: {  	_ =	swait.ge [sflag:s14], $0xFA80  }
0x81: {  	[sflag:s14] =	ssyncset.done $0x0  }
0x82: {  	s29 =	simm.s32 $0x0;
	[sflag:s14] =	ssyncadd.s32 $0xFFFF0580  }
.LBB2_2:
0x83: {  	p0 =	seq.s32 s29, $0x18  }
.Ltmp0:
0x84: {  	_ = 	snop;
	(pc) =	sbr.rel @p0 .LBB2_7-.Ltmp0, $1  }
0x85: {  	_ =	sdelay $0x3  }
0x86: {  	p0 =	seq.s32 s29, $0x10  }
.Ltmp1:
0x87: {  	_ = 	snop;
	(pc) =	sbr.rel @p0 .LBB2_6-.Ltmp1, $1  }
0x88: {  	_ =	sdelay $0x3  }
0x89: {  	p0 =	sne.s32 s29, $0x8  }
.Ltmp2:
0x8a: {  	_ = 	snop;
	(pc) =	sbr.rel @p0 .LBB2_8-.Ltmp2, $1  }
0x8b: {  	_ =	sdelay $0x3  }
0x8c: {  	_ =	swait.ge [sflag:s21], $0x4000  }
.Ltmp3:
0x8d: {  	[sflag:s21] =	ssyncset.done $0x0;
	(pc) =	sbr.rel .LBB2_9-.Ltmp3, $4  }
0x8e: {  	[sflag:s21] =	ssyncadd.s32 $0xFFFFC000  }
0x8f: {  	[hbm4b:s9+s2] =	stream.linear.scatter [tilespmem:s16], [sflag:$0x2], $0x4000, $0x38;
	[tilespmem:$0x1FC80] =	vst v63  }
0x90: {  	s30 =	sshll.u32 s29, $0x4  }
0x91: {  	[tilespmem:s24], [sflag:$0x1] =	stream.indirect.gather [hbm4b:s0+s15], $0x80, s15, s15, $0xb8;
	[tilespmem:$0x1FC80] =	vst v63  }
.LBB2_6:
0x92: {  	_ =	swait.ge [sflag:s21], $0x4000  }
0x93: {  	[sflag:s21] =	ssyncset.done $0x0  }
0x94: {  	[sflag:s21] =	ssyncadd.s32 $0xFFFFC000  }
0x95: {  	[hbm4b:s11+s2] =	stream.linear.scatter [tilespmem:s24], [sflag:$0x2], $0x4000, $0x38;
	[tilespmem:$0x1FC80] =	vst v63  }
.Ltmp4:
0x96: {  	_ = 	snop;
	(pc) =	sbr.rel .LBB2_9-.Ltmp4, $4  }
0x97: {  	_ =	swait.ge [sflag:s22], $0x4000  }
0x98: {  	[sflag:s22] =	ssyncset.done $0x0  }
0x99: {  	s30 =	sshll.u32 s29, $0x4;
	[sflag:s22] =	ssyncadd.s32 $0xFFFFC000  }
0x9a: {  	[tilespmem:s16], [sflag:$0x1] =	stream.indirect.gather [hbm4b:s0+s15], $0x80, s26, s15, $0xb8;
	[tilespmem:$0x1FC80] =	vst v63  }
.LBB2_7:
0x9b: {  	_ =	swait.ge [sflag:s21], $0x4000  }
0x9c: {  	[sflag:s21] =	ssyncset.done $0x0  }
0x9d: {  	[sflag:s21] =	ssyncadd.s32 $0xFFFFC000  }
0x9e: {  	[hbm4b:s10+s2] =	stream.linear.scatter [tilespmem:s16], [sflag:$0x2], $0x4000, $0x38;
	[tilespmem:$0x1FC80] =	vst v63  }
.Ltmp5:
0x9f: {  	_ = 	snop;
	(pc) =	sbr.rel .LBB2_9-.Ltmp5, $4  }
0xa0: {  	_ =	swait.ge [sflag:s22], $0x4000  }
0xa1: {  	[sflag:s22] =	ssyncset.done $0x0  }
0xa2: {  	s30 =	sshll.u32 s29, $0x4;
	[sflag:s22] =	ssyncadd.s32 $0xFFFFC000  }
0xa3: {  	[tilespmem:s24], [sflag:$0x1] =	stream.indirect.gather [hbm4b:s0+s15], $0x80, s23, s15, $0xb8;
	[tilespmem:$0x1FC80] =	vst v63  }
.LBB2_8:
0xa4: {  	p0 =	slt.u32 s29, $0x2  }
.Ltmp6:
0xa5: {  	_ = 	snop;
	(pc) =	sbr.rel @p0 .LBB2_10-.Ltmp6, $2  }
0xa6: {  	_ =	sdelay $0x2  }
0xa7: {  	s30 =	sshll.u32 s29, $0x4  }
.LBB2_9:
0xa8: {  	_ =	swait.ge [sflag:s25], $0x800  }
0xa9: {  	[sflag:s25] =	ssyncset.done $0x0  }
0xaa: {  	[sflag:s25] =	ssyncadd.s32 $0xFFFFF800  }
.LBB2_10:
0xab: {  	s4 =	sand.u32 $0x70, s30  }
0xac: {  	s1 =	sshll.u32 s29, $0x7;
	s3 =	sshll.u32 s29, $0xB;
	v32 =	vmov s4  }
0xad: {  	s17 =	simm.s32 $0x0;
	s1 =	sand.u32 $0xC00, s1;
	s3 =	sand.u32 $0x800, s3  }
0xae: {  	s1 =	sor.u32 $0x200, s1;
	s31 =	sadd.s32 $0x1EC80, s3;
	s3 =	simm.s32 $0x0  }
.LBB2_11:
0xaf: {  	_ = 	snop  }
0xb0: {  	s4 =	sand.u32 $0x7000, s3  }
0xb1: {  	s18 =	sand.u32 $0x380, s3;
	s4 =	sor.u32 s4, s1  }
0xb2: {  	s4 =	sadd.s32 s18, s4  }
0xb3: {  	v16 =	vld.idx.msk [tilespmem:v32+s4+$0x0 ss:$0x1], $0xffff;
	_ =	sdelay $0x3  }
0xb4: {  	s18 =	sshll.u32 s17, $0x4  }
0xb5: {  	v33 =	vmov s18;
	v16 =	vshll.u32 v16, $0x6  }
0xb6: {  	v16 =	vadd.s32 v33, v16  }
0xb7: {  	s19 =	simm.s32 $0x200;
	v17 =	vor.u32 v15, v16  }
0xb8: {  	s7 =	simm.s32 $0x80;
	s4 =	sand.u32 $0x7000, s19;
	v18 =	vor.u32 v0, v16  }
0xb9: {  	s18 =	sand.u32 $0x380, s7;
	s4 =	sor.u32 s4, s1;
	v19 =	vor.u32 v1, v16  }
0xba: {  	s4 =	sadd.s32 s18, s4;
	v20 =	vor.u32 v2, v16  }
0xbb: {  	v36 =	vld.idx.msk [tilespmem:v32+s4+$0x0 ss:$0x1], $0xffff;
	v21 =	vor.u32 v3, v16  }
0xbc: {  	v22 =	vor.u32 v4, v16;
	v17 =	vld.idx.msk [tilespmem:v17+s20+$0x0], $0xffff  }
0xbd: {  	v23 =	vor.u32 v5, v16;
	v18 =	vld.idx.msk [tilespmem:v18+s20+$0x0], $0xffff  }
0xbe: {  	v24 =	vor.u32 v6, v16;
	v19 =	vld.idx.msk [tilespmem:v19+s20+$0x0], $0xffff  }
0xbf: {  	v38 =	vor.u32 v7, v16;
	v40 =	vor.u32 v8, v16;
	v41 =	vor.u32 v9, v16;
	v20 =	vld.idx.msk [tilespmem:v20+s20+$0x0], $0xffff  }
0xc0: {  	v42 =	vor.u32 v10, v16;
	v43 =	vor.u32 v11, v16;
	v45 =	vor.u32 v12, v16;
	v21 =	vld.idx.msk [tilespmem:v21+s20+$0x0], $0xffff  }
0xc1: {  	v46 =	vor.u32 v13, v16;
	v47 =	vor.u32 v14, v16;
	v16 =	vshll.u32 v36, $0x6;
	v44 =	vld.idx.msk [tilespmem:v22+s20+$0x0], $0xffff  }
0xc2: {  	v52 =	vadd.s32 v33, v16;
	v48 =	vld.idx.msk [tilespmem:v23+s20+$0x0], $0xffff  }
0xc3: {  	v39 =	vimm.f32 $0.0e+00;
	v25 =	vor.u32 v0, v52;
	v24 =	vld.idx.msk [tilespmem:v24+s20+$0x0], $0xffff  }
0xc4: {  	v16 =	vor.u32 v6, v52;
	v63 =	vor.u32 v7, v52;
	v61 =	vor.u32 v8, v52;
	v50 =	vld.idx.msk [tilespmem:v38+s20+$0x0], $0xffff  }
0xc5: {  	v60 =	vor.u32 v9, v52;
	v58 =	vor.u32 v10, v52;
	v56 =	vor.u32 v11, v52;
	v49 =	vld.idx.msk [tilespmem:v40+s20+$0x0], $0xffff  }
0xc6: {  	v54 =	vor.u32 v12, v52;
	v51 =	vor.u32 v13, v52;
	v22 =	vor.u32 v1, v52;
	v53 =	vld.idx.msk [tilespmem:v41+s20+$0x0], $0xffff  }
0xc7: {  	v23 =	vor.u32 v2, v52;
	v59 =	vld.idx.msk [tilespmem:v45+s20+$0x0], $0xffff;
	v45 =	vimm.f32 $0.0e+00;
	v34 =	vadd.f32 v17, v39  }
0xc8: {  	v55 =	vld.idx.msk [tilespmem:v42+s20+$0x0], $0xffff;
	v35 =	vadd.f32 v18, v39;
	v38 =	vadd.f32 v21, v39;
	v21 =	vor.u32 v15, v52  }
0xc9: {  	v62 =	vld.idx.msk [tilespmem:v46+s20+$0x0], $0xffff;
	v46 =	vimm.f32 $0.0e+00;
	v36 =	vadd.f32 v19, v39;
	v37 =	vadd.f32 v20, v39  }
0xca: {  	v57 =	vld.idx.msk [tilespmem:v43+s20+$0x0], $0xffff;
	v19 =	vor.u32 v3, v52;
	v18 =	vor.u32 v4, v52;
	v17 =	vor.u32 v5, v52  }
0xcb: {  	v42 =	vadd.f32 v44, v39;
	v40 =	vadd.f32 v48, v39;
	v20 =	vld.idx.msk [tilespmem:v47+s20+$0x0], $0xffff;
	v52 =	vor.u32 v14, v52  }
0xcc: {  	s19 =	simm.s32 $0x400;
	v43 =	vadd.f32 v24, v39;
	v41 =	vadd.f32 v50, v39;
	v44 =	vimm.f32 $0.0e+00;
	v24 =	vld.idx.msk [tilespmem:v25+s20+$0x0], $0xffff  }
0xcd: {  	s18 =	simm.s32 $0x600;
	s4 =	sand.u32 $0x7000, s19;
	s19 =	simm.s32 $0x100;
	v50 =	vimm.f32 $0.0e+00;
	v47 =	vimm.f32 $0.0e+00;
	v48 =	vimm.f32 $0.0e+00;
	v21 =	vld.idx.msk [tilespmem:v21+s20+$0x0], $0xffff  }
.LBB2_12:
0xce: {  	p0 =	sne.s32 s18, $0x6200;
	s7 =	sand.u32 $0x380, s19;
	s4 =	sor.u32 s4, s1;
	v22 =	vld.idx.msk [tilespmem:v22+s20+$0x0], $0xffff;
	v39 =	vadd.f32 v49, v39;
	v45 =	vadd.f32 v53, v45  }
0xcf: {  	v46 =	vadd.f32 v55, v46;
	v44 =	vadd.f32 v57, v44;
	s4 =	sadd.s32 s7, s4;
	v23 =	vld.idx.msk [tilespmem:v23+s20+$0x0], $0xffff  }
0xd0: {  	v50 =	vadd.f32 v59, v50;
	v47 =	vadd.f32 v62, v47;
	v25 =	vld.idx.msk [tilespmem:v32+s4+$0x0 ss:$0x1], $0xffff  }
0xd1: {  	v48 =	vadd.f32 v20, v48;
	v19 =	vld.idx.msk [tilespmem:v19+s20+$0x0], $0xffff  }
0xd2: {  	v34 =	vadd.f32 v21, v34;
	v26 =	vld.idx.msk [tilespmem:v18+s20+$0x0], $0xffff  }
0xd3: {  	v35 =	vadd.f32 v24, v35;
	v24 =	vld.idx.msk [tilespmem:v17+s20+$0x0], $0xffff  }
0xd4: {  	v36 =	vadd.f32 v22, v36;
	v27 =	vld.idx.msk [tilespmem:v16+s20+$0x0], $0xffff  }
0xd5: {  	v37 =	vadd.f32 v23, v37;
	v28 =	vld.idx.msk [tilespmem:v63+s20+$0x0], $0xffff  }
0xd6: {  	v16 =	vshll.u32 v25, $0x6;
	v49 =	vld.idx.msk [tilespmem:v61+s20+$0x0], $0xffff  }
0xd7: {  	v21 =	vadd.s32 v33, v16;
	v38 =	vadd.f32 v19, v38;
	v53 =	vld.idx.msk [tilespmem:v60+s20+$0x0], $0xffff  }
0xd8: {  	v25 =	vor.u32 v0, v21;
	v22 =	vor.u32 v1, v21;
	v29 =	vor.u32 v15, v21;
	v55 =	vld.idx.msk [tilespmem:v58+s20+$0x0], $0xffff  }
0xd9: {  	v23 =	vor.u32 v2, v21;
	v19 =	vor.u32 v3, v21;
	v18 =	vor.u32 v4, v21;
	v57 =	vld.idx.msk [tilespmem:v56+s20+$0x0], $0xffff  }
.Ltmp7:
0xda: {  	v17 =	vor.u32 v5, v21;
	v16 =	vor.u32 v6, v21;
	v63 =	vor.u32 v7, v21;
	v59 =	vld.idx.msk [tilespmem:v54+s20+$0x0], $0xffff;
	(pc) =	sbr.rel @p0 .LBB2_12-.Ltmp7, $4  }
0xdb: {  	v61 =	vor.u32 v8, v21;
	v60 =	vor.u32 v9, v21;
	v58 =	vor.u32 v10, v21;
	v62 =	vld.idx.msk [tilespmem:v51+s20+$0x0], $0xffff  }
0xdc: {  	v56 =	vor.u32 v11, v21;
	v54 =	vor.u32 v12, v21;
	v51 =	vor.u32 v13, v21;
	v20 =	vld.idx.msk [tilespmem:v52+s20+$0x0], $0xffff  }
0xdd: {  	v42 =	vadd.f32 v26, v42;
	v40 =	vadd.f32 v24, v40;
	v52 =	vor.u32 v14, v21;
	v21 =	vld.idx.msk [tilespmem:v29+s20+$0x0], $0xffff  }
0xde: {  	s19 =	sadd.s32 $0x80, s19;
	s4 =	sand.u32 $0x7000, s18;
	s18 =	sadd.s32 $0x200, s18;
	v43 =	vadd.f32 v27, v43;
	v41 =	vadd.f32 v28, v41;
	v24 =	vld.idx.msk [tilespmem:v25+s20+$0x0], $0xffff  }
0xdf: {  	_ =	sdelay $0x3  }
0xe0: {  	v22 =	vld.idx.msk [tilespmem:v22+s20+$0x0], $0xffff  }
0xe1: {  	s7 =	sand.u32 $0x380, s19;
	s4 =	sor.u32 s4, s1;
	v23 =	vld.idx.msk [tilespmem:v23+s20+$0x0], $0xffff  }
0xe2: {  	v19 =	vld.idx.msk [tilespmem:v19+s20+$0x0], $0xffff;
	s4 =	sadd.s32 s7, s4  }
0xe3: {  	v25 =	vld.idx.msk [tilespmem:v32+s4+$0x0 ss:$0x1], $0xffff  }
0xe4: {  	v18 =	vld.idx.msk [tilespmem:v18+s20+$0x0], $0xffff  }
0xe5: {  	v17 =	vld.idx.msk [tilespmem:v17+s20+$0x0], $0xffff  }
0xe6: {  	v16 =	vld.idx.msk [tilespmem:v16+s20+$0x0], $0xffff  }
0xe7: {  	v26 =	vld.idx.msk [tilespmem:v63+s20+$0x0], $0xffff  }
0xe8: {  	v27 =	vld.idx.msk [tilespmem:v61+s20+$0x0], $0xffff;
	v25 =	vshll.u32 v25, $0x6  }
0xe9: {  	v28 =	vld.idx.msk [tilespmem:v60+s20+$0x0], $0xffff;
	v25 =	vadd.s32 v33, v25  }
0xea: {  	v58 =	vld.idx.msk [tilespmem:v58+s20+$0x0], $0xffff;
	v29 =	vor.u32 v15, v25  }
0xeb: {  	v56 =	vld.idx.msk [tilespmem:v56+s20+$0x0], $0xffff;
	v60 =	vor.u32 v0, v25  }
0xec: {  	v54 =	vld.idx.msk [tilespmem:v54+s20+$0x0], $0xffff;
	v61 =	vor.u32 v1, v25  }
0xed: {  	v51 =	vld.idx.msk [tilespmem:v51+s20+$0x0], $0xffff;
	v63 =	vor.u32 v2, v25  }
0xee: {  	v52 =	vld.idx.msk [tilespmem:v52+s20+$0x0], $0xffff;
	v30 =	vor.u32 v3, v25  }
0xef: {  	v31 =	vor.u32 v4, v25;
	v29 =	vld.idx.msk [tilespmem:v29+s20+$0x0], $0xffff  }
0xf0: {  	v39 =	vadd.f32 v49, v39;
	v49 =	vor.u32 v5, v25;
	v60 =	vld.idx.msk [tilespmem:v60+s20+$0x0], $0xffff  }
0xf1: {  	v45 =	vadd.f32 v53, v45;
	v46 =	vadd.f32 v55, v46;
	v53 =	vor.u32 v6, v25;
	v55 =	vld.idx.msk [tilespmem:v61+s20+$0x0], $0xffff  }
0xf2: {  	v44 =	vadd.f32 v57, v44;
	v50 =	vadd.f32 v59, v50;
	v57 =	vor.u32 v7, v25;
	v59 =	vld.idx.msk [tilespmem:v63+s20+$0x0], $0xffff  }
0xf3: {  	v20 =	vadd.f32 v20, v48;
	v48 =	vor.u32 v8, v25;
	v30 =	vld.idx.msk [tilespmem:v30+s20+$0x0], $0xffff  }
0xf4: {  	v31 =	vld.idx.msk [tilespmem:v31+s20+$0x0], $0xffff  }
0xf5: {  	v22 =	vadd.f32 v22, v36;
	v36 =	vld.idx.msk [tilespmem:v49+s20+$0x0], $0xffff;
	v61 =	vor.u32 v11, v25  }
0xf6: {  	v19 =	vadd.f32 v19, v38;
	v38 =	vld.idx.msk [tilespmem:v53+s20+$0x0], $0xffff  }
0xf7: {  	v18 =	vadd.f32 v18, v42;
	v42 =	vld.idx.msk [tilespmem:v57+s20+$0x0], $0xffff  }
0xf8: {  	v21 =	vadd.f32 v21, v34;
	v34 =	vor.u32 v9, v25;
	v53 =	vld.idx.msk [tilespmem:v48+s20+$0x0], $0xffff  }
0xf9: {  	v24 =	vadd.f32 v24, v35;
	v35 =	vor.u32 v10, v25;
	v57 =	vadd.f32 v58, v46;
	v58 =	vld [tilespmem:$0x1FF00]  }
0xfa: {  	v47 =	vadd.f32 v62, v47;
	v23 =	vadd.f32 v23, v37;
	v62 =	vor.u32 v12, v25;
	v37 =	vld.idx.msk [tilespmem:v61+s20+$0x0], $0xffff  }
0xfb: {  	v24 =	vadd.f32 v60, v24;
	v60 =	vld [tilespmem:$0x1FF10]  }
0xfc: {  	v63 =	vor.u32 v13, v25;
	v61 =	vld [tilespmem:$0x1FF20]  }
0xfd: {  	v25 =	vor.u32 v14, v25;
	v34 =	vld.idx.msk [tilespmem:v34+s20+$0x0], $0xffff  }
0xfe: {  	v35 =	vld.idx.msk [tilespmem:v35+s20+$0x0], $0xffff  }
0xff: {  	v17 =	vadd.f32 v17, v40;
	v40 =	vld.idx.msk [tilespmem:v62+s20+$0x0], $0xffff;
	v46 =	vor.u32 v58, v33  }
0x100: {  	v62 =	vld [tilespmem:$0x1FF30];
	v48 =	vor.u32 v60, v33  }
0x101: {  	v27 =	vadd.f32 v27, v39;
	v22 =	vadd.f32 v55, v22;
	v39 =	vld.idx.msk [tilespmem:v63+s20+$0x0], $0xffff;
	v49 =	vor.u32 v61, v33  }
0x102: {  	v23 =	vadd.f32 v59, v23;
	v25 =	vld.idx.msk [tilespmem:v25+s20+$0x0], $0xffff;
	v24 =	vmul.f32 $1.999999960e-02, v24  }
0x103: {  	v63 =	vld [tilespmem:$0x1FF40];
	v22 =	vmul.f32 $1.999999960e-02, v22  }
0x104: {  	v23 =	vmul.f32 $1.999999960e-02, v23;
	[tilespmem:v46+s31+$0x0] =	vst.idx.msk $0xffff, v24;
	v46 =	vld [tilespmem:$0x1FF50]  }
0x105: {  	v16 =	vadd.f32 v16, v43;
	[tilespmem:v48+s31+$0x0] =	vst.idx.msk $0xffff, v22;
	v48 =	vld [tilespmem:$0x1FF60]  }
0x106: {  	v26 =	vadd.f32 v26, v41;
	v28 =	vadd.f32 v28, v45;
	[tilespmem:v49+s31+$0x0] =	vst.idx.msk $0xffff, v23;
	v49 =	vld [tilespmem:$0x1FF70]  }
0x107: {  	v45 =	vadd.f32 v54, v50;
	v20 =	vadd.f32 v52, v20;
	v52 =	vld [tilespmem:$0x1FF80];
	v50 =	vor.u32 v62, v33  }
0x108: {  	v44 =	vadd.f32 v56, v44;
	v54 =	vld [tilespmem:$0x1FF90];
	v19 =	vadd.f32 v30, v19;
	v30 =	vor.u32 v63, v33  }
0x109: {  	v47 =	vadd.f32 v51, v47;
	v18 =	vadd.f32 v31, v18;
	v55 =	vld [tilespmem:$0x1FFA0];
	v24 =	vor.u32 v46, v33  }
0x10a: {  	v56 =	vld [tilespmem:$0x1FFB0];
	v17 =	vadd.f32 v36, v17;
	v19 =	vmul.f32 $1.999999960e-02, v19;
	v22 =	vor.u32 v48, v33  }
0x10b: {  	v16 =	vadd.f32 v38, v16;
	v58 =	vld [tilespmem:$0x1FFC0];
	v18 =	vmul.f32 $1.999999960e-02, v18;
	v23 =	vor.u32 v49, v33  }
0x10c: {  	v51 =	vadd.f32 v42, v26;
	v26 =	vor.u32 v52, v33;
	v17 =	vmul.f32 $1.999999960e-02, v17;
	v60 =	vld [tilespmem:$0x1FFD0];
	[tilespmem:v50+s31+$0x0] =	vst.idx.msk $0xffff, v19  }
0x10d: {  	v53 =	vadd.f32 v53, v27;
	v27 =	vor.u32 v54, v33;
	v16 =	vmul.f32 $1.999999960e-02, v16;
	v61 =	vld [tilespmem:$0x1FFE0];
	[tilespmem:v30+s31+$0x0] =	vst.idx.msk $0xffff, v18  }
0x10e: {  	v62 =	vld [tilespmem:$0x1FFF0];
	v19 =	vmul.f32 $1.999999960e-02, v51;
	[tilespmem:v24+s31+$0x0] =	vst.idx.msk $0xffff, v17;
	v17 =	vadd.f32 v34, v28;
	v24 =	vor.u32 v55, v33  }
0x10f: {  	v18 =	vmul.f32 $1.999999960e-02, v53;
	[tilespmem:v22+s31+$0x0] =	vst.idx.msk $0xffff, v16;
	v16 =	vadd.f32 v35, v57;
	v22 =	vor.u32 v56, v33  }
0x110: {  	v17 =	vmul.f32 $1.999999960e-02, v17;
	v57 =	vadd.f32 v37, v44;
	[tilespmem:v23+s31+$0x0] =	vst.idx.msk $0xffff, v19;
	v23 =	vor.u32 v58, v33  }
0x111: {  	v59 =	vadd.f32 v40, v45;
	[tilespmem:v26+s31+$0x0] =	vst.idx.msk $0xffff, v18;
	v16 =	vmul.f32 $1.999999960e-02, v16;
	v26 =	vor.u32 v60, v33  }
0x112: {  	s17 =	sadd.s32 $0x1, s17;
	v19 =	vmul.f32 $1.999999960e-02, v57;
	[tilespmem:v27+s31+$0x0] =	vst.idx.msk $0xffff, v17;
	v17 =	vadd.f32 v39, v47;
	v27 =	vor.u32 v61, v33  }
0x113: {  	p0 =	sne.s32 s17, $0x4;
	v18 =	vmul.f32 $1.999999960e-02, v59;
	[tilespmem:v24+s31+$0x0] =	vst.idx.msk $0xffff, v16;
	v16 =	vadd.f32 v25, v20;
	v20 =	vor.u32 v62, v33  }
.Ltmp8:
0x114: {  	v63 =	vadd.f32 v29, v21;
	[tilespmem:v22+s31+$0x0] =	vst.idx.msk $0xffff, v19;
	v17 =	vmul.f32 $1.999999960e-02, v17;
	(pc) =	sbr.rel @p0 .LBB2_11-.Ltmp8, $4  }
0x115: {  	[tilespmem:v23+s31+$0x0] =	vst.idx.msk $0xffff, v18;
	v16 =	vmul.f32 $1.999999960e-02, v16  }
0x116: {  	[tilespmem:v26+s31+$0x0] =	vst.idx.msk $0xffff, v17;
	v17 =	vmul.f32 $1.999999960e-02, v63  }
0x117: {  	[tilespmem:v27+s31+$0x0] =	vst.idx.msk $0xffff, v16  }
0x118: {  	[tilespmem:v20+s31+$0x0] =	vst.idx.msk $0xffff, v17  }
0x119: {  	s29 =	sadd.s32 $0x1, s29  }
0x11a: {  	p0 =	sne.s32 s29, $0x20  }
.Ltmp9:
0x11b: {  	_ = 	snop;
	(pc) =	sbr.rel @p0 .LBB2_2-.Ltmp9, $4  }
0x11c: {  	s1 =	sadd.s32 s6, s30  }
0x11d: {  	s1 =	sshll.u32 s1, $0x4  }
0x11e: {  	s1 =	sadd.s32 s5, s1  }
0x11f: {  	[hbm4b:s1+s2] =	stream.linear.scatter [tilespmem:s31], [sflag:$0x3], $0x800, $0x38;
	[tilespmem:$0x1FC80] =	vst v63  }
0x120: {  	_ =	swait.ge [sflag:s25], $0x800  }
0x121: {  	[sflag:s25] =	ssyncset.done $0x0  }
0x122: {  	[sflag:s25] =	ssyncadd.s32 $0xFFFFF800  }
0x123: {  	_ =	swait.ge [sflag:s25], $0x800  }
0x124: {  	[sflag:s25] =	ssyncset.done $0x0  }
0x125: {  	[sflag:s25] =	ssyncadd.s32 $0xFFFFF800  }
0x126: {  	_ =	swait.ge [sflag:s21], $0x4000  }
0x127: {  	[sflag:s21] =	ssyncset.done $0x0  }
0x128: {  	s28 =	sadd.s32 $0x1, s28;
	[sflag:s21] =	ssyncadd.s32 $0xFFFFC000  }
0x129: {  	[hbm4b:s12+s2] =	stream.linear.scatter [tilespmem:s24], [sflag:$0x2], $0x4000, $0x38;
	[tilespmem:$0x1FC80] =	vst v63  }
0x12a: {  	p0 =	sne.s32 s28, s13;
	_ =	swait.ge [sflag:s22], $0x4000  }
.Ltmp10:
0x12b: {  	[sflag:s22] =	ssyncset.done $0x0;
	(pc) =	sbr.rel @p0 .LBB2_1-.Ltmp10, $4  }
0x12c: {  	[sflag:s22] =	ssyncadd.s32 $0xFFFFC000  }
0x12d: {  	_ =	swait.ge [sflag:s22], $0x4000  }
0x12e: {  	[sflag:s22] =	ssyncset.done $0x0  }
0x12f: {  	[sflag:s22] =	ssyncadd.s32 $0xFFFFC000  }
0x130: {  	_ =	sfence.sel $0x180000  }
0x131: {  	[bflag:$0x0] =	sbarrier.arrive $0xFFFF  }
0x132: {  	_ =	strace $0x90000047  }
0x133: {  	s0 =	stileid.u32;
	[bflag:$0x2] =	sbarrier.arrive $0xFFFF  }
0x134: {  	p0 =	sne.s32 s0, $0x0;
	s0 =	rddreg [dreg:$0x5]  }
0x135: {  	s0 =	sadd.s32 @!p0 $0x100000, s0  }
0x136: {  	[sflag:s0] =	ssyncadd.tile.s32 @!p0 $0x1;
	_ =	shalt  }
.Lfunc_end2:
_tile_overlayer_lowered:
.L_overlay_start_2:
0x137: {  	(tag) =	ssettag $0x2  }
0x138: {  	s0 =	rddreg [dreg:$0x0];
	s2 =	stileid.u32  }
0x139: {  	s1 =	rddreg [dreg:$0x1];
	p0 =	sne.s32 s2, $0x0  }
0x13a: {  	s3 =	rddreg [dreg:$0x2];
	[bflag:$0x3] =	sbarrier.arrive $0xFFFF;
	s2 =	simm.s32 @!p0 $0x1C04  }
0x13b: {  	[timem:s3], [sflag:s2] =	dma.local @!p0 [hbm:s0], s1  }
0x13c: {  	s0 =	simm.s32 @!p0 $0x4  }
0x13d: {  	_ =	swait.ge @!p0 [sflag:s0], s1  }
0x13e: {  	s1 =	ssub.s32 @!p0 $0x0, s1;
	[sflag:s0] =	ssyncset.done @!p0 $0x0  }
0x13f: {  	[sflag:s0] =	ssyncadd.s32 @!p0 s1  }
0x140: {  	[bflag:$0x3] =	sbarrier.arrive $0xFFFF  }
0x141: {  	_ =	shalt  }

</sc_bundles>
